<compile_context>
chip_gen: v7x
topology: tpu7x:2x2x1
jax: 0.10.2.dev20260603
libtpu: 0.0.44.dev20260713+nightly
codegen_flags: <defaults>
</compile_context>

<pallas_src>
import functools

import jax
import jax.numpy as jnp
from jax import lax
from jax.experimental import pallas as pl
from jax.experimental.pallas import tpu as pltpu
from jax.experimental.pallas import tpu_sc as plsc

N = 10000
D = 128
E = 320000
EPS = 1e-5

NC = 2
NS = 16
CH = 128
CPW = 80
E_PAD = NC * NS * CPW * CH
NPAD = 112
NA = N + NPAD
RPT = NA // NS

_SC_MESH = dict(
    mesh=plsc.VectorSubcoreMesh(core_axis_name="c", subcore_axis_name="s",
                                num_cores=NC, num_subcores=NS),
)


def _unpack_chunk(pk_v, j, src_row, dst_row):
    for k in range(CH // 16):
        v = pk_v[j, pl.ds(k * 16, 16)]
        if src_row is not None:
            src_row[pl.ds(k * 16, 16)] = lax.bitwise_and(v, jnp.int32(0xFFFF))
        dst_row[pl.ds(k * 16, 16)] = lax.shift_right_logical(v, jnp.int32(16))


NBUF = 2


def _sc_agg_body(x_hbm, pk_hbm, zagg_hbm, agg_out,
                 pk_v, src_rows, dst_rows, rows_bufs, agg_sh, gsems):
    c = lax.axis_index("c")
    s = lax.axis_index("s")
    r0 = s * RPT

    pltpu.sync_copy(zagg_hbm.at[pl.ds(r0, RPT)], agg_sh.at[pl.ds(r0, RPT)])
    pltpu.sync_copy(pk_hbm.at[c, s], pk_v)

    plsc.subcore_barrier()

    for b in range(NBUF):
        _unpack_chunk(pk_v, b, src_rows[b], dst_rows[b])
        pltpu.async_copy(x_hbm.at[src_rows[b]], rows_bufs[b], gsems[b])

    def _round(jj, carry):
        j0 = jj * NBUF
        for b in range(NBUF):
            pltpu.make_async_copy(x_hbm.at[src_rows[b]], rows_bufs[b],
                                  gsems[b]).wait()
            pltpu.sync_copy(rows_bufs[b], agg_sh.at[dst_rows[b]], add=True)
            nxt = j0 + b + NBUF

            @pl.when(nxt < CPW)
            def _():
                _unpack_chunk(pk_v, nxt, src_rows[b], dst_rows[b])
                pltpu.async_copy(x_hbm.at[src_rows[b]], rows_bufs[b],
                                 gsems[b])
        return carry
    lax.fori_loop(0, CPW // NBUF, _round, 0)

    plsc.subcore_barrier()
    pltpu.sync_copy(agg_sh.at[pl.ds(r0, RPT)], agg_out.at[c, pl.ds(r0, RPT)])


_sc_aggregate = functools.partial(
    pl.kernel,
    out_type=jax.ShapeDtypeStruct((NC, NA, D), jnp.float32),
    scratch_types=[
        pltpu.VMEM((CPW, CH), jnp.int32),
        [pltpu.VMEM((CH,), jnp.int32)] * NBUF,
        [pltpu.VMEM((CH,), jnp.int32)] * NBUF,
        [pltpu.VMEM((CH, D), jnp.float32)] * NBUF,
        pltpu.VMEM_SHARED((NA, D), jnp.float32),
        [pltpu.SemaphoreType.DMA] * NBUF,
    ],
    **_SC_MESH,
)(_sc_agg_body)


def _sc_cnt_body(pk_hbm, zcnt_hbm, cnt_out,
                 pk_v, dst_row, ones_v, cnt_sh):
    c = lax.axis_index("c")
    s = lax.axis_index("s")
    r0 = s * RPT

    pltpu.sync_copy(zcnt_hbm.at[pl.ds(r0, RPT)], cnt_sh.at[pl.ds(r0, RPT)])

    def _fill(i, carry):
        ones_v[i, :] = jnp.ones((16,), jnp.float32)
        return carry
    lax.fori_loop(0, CH, _fill, 0)

    pltpu.sync_copy(pk_hbm.at[c, s], pk_v)

    plsc.subcore_barrier()

    def _chunk(j, carry):
        _unpack_chunk(pk_v, j, None, dst_row)
        pltpu.sync_copy(ones_v, cnt_sh.at[dst_row], add=True)
        return carry
    lax.fori_loop(0, CPW, _chunk, 0)

    plsc.subcore_barrier()
    pltpu.sync_copy(cnt_sh.at[pl.ds(r0, RPT)], cnt_out.at[c, pl.ds(r0, RPT)])


_sc_count = functools.partial(
    pl.kernel,
    out_type=jax.ShapeDtypeStruct((NC, NA, 16), jnp.float32),
    scratch_types=[
        pltpu.VMEM((CPW, CH), jnp.int32),
        pltpu.VMEM((CH,), jnp.int32),
        pltpu.VMEM((CH, 16), jnp.float32),
        pltpu.VMEM_SHARED((NA, 16), jnp.float32),
    ],
    **_SC_MESH,
)(_sc_cnt_body)


def _tc_body(agg_ref, cnt_ref, x_ref, wl_ref, bl_ref, wr_ref, g_ref, b_ref,
             out_ref):
    agg = agg_ref[0, :N, :] + agg_ref[1, :N, :]
    cnt = cnt_ref[0, :N, :1] + cnt_ref[1, :N, :1]
    mean = agg / jnp.maximum(cnt, 1.0)
    x = x_ref[...]
    h = (lax.dot_general(mean, wl_ref[...], (((1,), (1,)), ((), ())),
                         preferred_element_type=jnp.float32)
         + lax.dot_general(x, wr_ref[...], (((1,), (1,)), ((), ())),
                           preferred_element_type=jnp.float32)
         + bl_ref[...])
    mu = jnp.mean(h, axis=0, keepdims=True)
    var = jnp.mean(h * h, axis=0, keepdims=True) - mu * mu
    y = g_ref[...] * (h - mu) * lax.rsqrt(var + EPS) + b_ref[...]
    out_ref[...] = jnp.maximum(y, 0.0)


def kernel(x, edge_index, W_l, b_l, W_r, gamma, beta):
    src = edge_index[0].astype(jnp.int32)
    dst = edge_index[1].astype(jnp.int32)
    npad = E_PAD - E
    pad_ids = lax.iota(jnp.int32, npad)
    src_p = jnp.concatenate([src, pad_ids % N])
    dst_p = jnp.concatenate([dst, N + pad_ids % NPAD])
    pk_r = (jnp.left_shift(dst_p, 16) | src_p).reshape(NC, NS, CPW, CH)
    zagg = jnp.zeros((NA, D), jnp.float32)
    zcnt = jnp.zeros((NA, 16), jnp.float32)

    agg_part = _sc_aggregate(x, pk_r, zagg)
    cnt_part = _sc_count(pk_r, zcnt)

    return pl.pallas_call(
        _tc_body,
        out_shape=jax.ShapeDtypeStruct((N, D), jnp.float32),
    )(agg_part, cnt_part, x, W_l, b_l.reshape(1, D), W_r,
      gamma.reshape(1, D), beta.reshape(1, D))

# --- scband reference (transcript-rebuilt; emitter-appended) ---
"""Pipeline reference for scband-sageblock-11948599018079 (READ-ONLY COPY).

The authoritative reference and input builder live on the scoring server;
editing this copy changes nothing except your own understanding.
"""

import jax, jax.numpy as jnp
import numpy as np

N_NODES = 10000
N_EDGES = 320000
D = 128
EPS = 1e-5

def setup_inputs(seed: int = 0) -> dict:
    key = jax.random.key(seed)
    k1, k2, k3, k4 = jax.random.split(key, 4)
    x = jax.random.normal(k1, (N_NODES, D), dtype=jnp.float32)
    edge_index = jax.random.randint(k2, (2, N_EDGES), 0, N_NODES, dtype=jnp.int64)
    # SAGEConv params: lin_l (applied to aggregated neighbors, with bias), lin_r (applied to root, no bias)
    W_l = jax.random.normal(k3, (D, D), dtype=jnp.float32) * (1.0 / np.sqrt(D))
    b_l = jnp.zeros((D,), dtype=jnp.float32)
    W_r = jax.random.normal(k4, (D, D), dtype=jnp.float32) * (1.0 / np.sqrt(D))
    # BatchNorm1d affine params (track_running_stats=False -> always batch stats)
    gamma = jnp.ones((D,), dtype=jnp.float32)
    beta = jnp.zeros((D,), dtype=jnp.float32)
    return {"x": x, "edge_index": edge_index, "W_l": W_l, "b_l": b_l, "W_r": W_r, "gamma": gamma, "beta": beta}

def reference(x, edge_index, W_l, b_l, W_r, gamma, beta):
    src = edge_index[0]
    dst = edge_index[1]
    # SAGEConv with mean aggregation: gather source features, scatter-mean to destination
    msg = jnp.take(x, src, axis=0)
    agg = jax.ops.segment_sum(msg, dst, num_segments=N_NODES)
    cnt = jax.ops.segment_sum(jnp.ones((N_EDGES,), dtype=x.dtype), dst, num_segments=N_NODES)
    mean_agg = agg / jnp.clip(cnt, 1.0, None)[:, None]
    h = mean_agg @ W_l.T + b_l + x @ W_r.T
    # BatchNorm1d with batch statistics (biased variance), eps=1e-5
    mu = jnp.mean(h, axis=0)
    var = jnp.var(h, axis=0)
    y = gamma * (h - mu) / jnp.sqrt(var + EPS) + beta
    # ReLU
    return jnp.maximum(y, 0.0)

if __name__ == "__main__":
    import jax
    _d = setup_inputs()
    print(jax.jit(kernel)(*tuple(_d.values())))

</pallas_src>

<mosaic_0001>
#map = affine_map<(d0, d1) -> (0, 0)>
#map1 = affine_map<(d0, d1) -> (0, 0, 0, 0)>
#map2 = affine_map<(d0, d1) -> (0, 0, 0)>
module attributes {stable_mosaic.version = 14 : i64} {
  func.func @_sc_agg_body(%arg0: i32, %arg1: i32, %arg2: memref<10000x128xf32, #tpu.memory_space<hbm>>, %arg3: memref<2x16x80x128xi32, #tpu.memory_space<hbm>>, %arg4: memref<10112x128xf32, #tpu.memory_space<hbm>>, %arg5: memref<2x10112x128xf32, #tpu.memory_space<hbm>>, %arg6: memref<80x128xi32, #tpu.memory_space<vmem>>, %arg7: memref<128xi32, #tpu.memory_space<vmem>>, %arg8: memref<128xi32, #tpu.memory_space<vmem>>, %arg9: memref<128xi32, #tpu.memory_space<vmem>>, %arg10: memref<128xi32, #tpu.memory_space<vmem>>, %arg11: memref<128x128xf32, #tpu.memory_space<vmem>>, %arg12: memref<128x128xf32, #tpu.memory_space<vmem>>, %arg13: memref<10112x128xf32, #tpu.memory_space<vmem_shared>>, %arg14: memref<!tpu.dma_semaphore, #tpu.memory_space<semaphore_mem>>, %arg15: memref<!tpu.dma_semaphore, #tpu.memory_space<semaphore_mem>>) attributes {dimension_semantics = [#tpu.dimension_semantics<core_parallel>, #tpu.dimension_semantics<subcore_parallel>], iteration_bounds = array<i64: 2, 16>, scalar_prefetch = 0 : i64, scratch_operands = 10 : i64, tpu.core_type = #tpu.core_type<sc_vector_subcore>, window_params = [{transform_indices = #map}, {transform_indices = #map1}, {transform_indices = #map}, {transform_indices = #map2}]} {
    %mul3A = arith.constant 632 : i32
    %mul3A_0 = arith.muli %arg1, %mul3A : i32
    "tpu.region"() ({
      %run_scoped3A = tpu.sem_alloc : memref<!tpu.dma_semaphore, #tpu.memory_space<semaphore_mem>>
      %dma_start3A_312 = arith.constant 0 : i32
      %dma_start3A_313 = tpu.memref_slice %arg13[%mul3A_0, %dma_start3A_312] : memref<10112x128xf32, #tpu.memory_space<vmem_shared>> -> memref<632x128xf32, #tpu.memory_space<vmem_shared>>
      %dma_start3A_314 = arith.constant 0 : i32
      %dma_start3A_315 = tpu.memref_slice %arg4[%mul3A_0, %dma_start3A_314] : memref<10112x128xf32, #tpu.memory_space<hbm>> -> memref<632x128xf32, #tpu.memory_space<hbm>>
      tpu.enqueue_dma source(%dma_start3A_315 : memref<632x128xf32, #tpu.memory_space<hbm>>) target(%dma_start3A_313 : memref<632x128xf32, #tpu.memory_space<vmem_shared>>) target_semaphore(%run_scoped3A : memref<!tpu.dma_semaphore, #tpu.memory_space<semaphore_mem>>)
      %dma_wait3A = arith.constant 0 : i32
      %dma_wait3A_316 = tpu.memref_slice %arg13[%mul3A_0, %dma_wait3A] : memref<10112x128xf32, #tpu.memory_space<vmem_shared>> -> memref<632x128xf32, #tpu.memory_space<vmem_shared>>
      %dma_wait3A_317 = arith.constant 0 : i32
      %dma_wait3A_318 = tpu.memref_slice %arg4[%mul3A_0, %dma_wait3A_317] : memref<10112x128xf32, #tpu.memory_space<hbm>> -> memref<632x128xf32, #tpu.memory_space<hbm>>
      tpu.wait_dma2 semaphore(%run_scoped3A : memref<!tpu.dma_semaphore, #tpu.memory_space<semaphore_mem>>) src(%dma_wait3A_318 : memref<632x128xf32, #tpu.memory_space<hbm>>) dst(%dma_wait3A_316 : memref<632x128xf32, #tpu.memory_space<vmem_shared>>)
      tpu.yield
    }) : () -> ()
    "tpu.region"() ({
      %run_scoped3A = tpu.sem_alloc : memref<!tpu.dma_semaphore, #tpu.memory_space<semaphore_mem>>
      %dma_start3A_312 = arith.constant 0 : i32
      %dma_start3A_313 = arith.constant 0 : i32
      %dma_start3A_314 = tpu.memref_slice %arg3[%arg0, %arg1, %dma_start3A_312, %dma_start3A_313] : memref<2x16x80x128xi32, #tpu.memory_space<hbm>> -> memref<1x1x80x128xi32, #tpu.memory_space<hbm>>
      %dma_start3A_315 = tpu.memref_squeeze %dma_start3A_314 : memref<1x1x80x128xi32, #tpu.memory_space<hbm>> -> memref<80x128xi32, #tpu.memory_space<hbm>>
      %dma_start3A_316 = arith.constant 0 : i32
      %dma_start3A_317 = arith.constant 0 : i32
      %dma_start3A_318 = tpu.memref_slice %arg3[%arg0, %arg1, %dma_start3A_316, %dma_start3A_317] : memref<2x16x80x128xi32, #tpu.memory_space<hbm>> -> memref<1x1x80x128xi32, #tpu.memory_space<hbm>>
      %dma_start3A_319 = tpu.memref_squeeze %dma_start3A_318 : memref<1x1x80x128xi32, #tpu.memory_space<hbm>> -> memref<80x128xi32, #tpu.memory_space<hbm>>
      tpu.enqueue_dma source(%dma_start3A_319 : memref<80x128xi32, #tpu.memory_space<hbm>>) target(%arg6 : memref<80x128xi32, #tpu.memory_space<vmem>>) target_semaphore(%run_scoped3A : memref<!tpu.dma_semaphore, #tpu.memory_space<semaphore_mem>>)
      %dma_wait3A = arith.constant 0 : i32
      %dma_wait3A_320 = arith.constant 0 : i32
      %dma_wait3A_321 = tpu.memref_slice %arg3[%arg0, %arg1, %dma_wait3A, %dma_wait3A_320] : memref<2x16x80x128xi32, #tpu.memory_space<hbm>> -> memref<1x1x80x128xi32, #tpu.memory_space<hbm>>
      %dma_wait3A_322 = tpu.memref_squeeze %dma_wait3A_321 : memref<1x1x80x128xi32, #tpu.memory_space<hbm>> -> memref<80x128xi32, #tpu.memory_space<hbm>>
      %dma_wait3A_323 = arith.constant 0 : i32
      %dma_wait3A_324 = arith.constant 0 : i32
      %dma_wait3A_325 = tpu.memref_slice %arg3[%arg0, %arg1, %dma_wait3A_323, %dma_wait3A_324] : memref<2x16x80x128xi32, #tpu.memory_space<hbm>> -> memref<1x1x80x128xi32, #tpu.memory_space<hbm>>
      %dma_wait3A_326 = tpu.memref_squeeze %dma_wait3A_325 : memref<1x1x80x128xi32, #tpu.memory_space<hbm>> -> memref<80x128xi32, #tpu.memory_space<hbm>>
      tpu.wait_dma2 semaphore(%run_scoped3A : memref<!tpu.dma_semaphore, #tpu.memory_space<semaphore_mem>>) src(%dma_wait3A_326 : memref<80x128xi32, #tpu.memory_space<hbm>>) dst(%arg6 : memref<80x128xi32, #tpu.memory_space<vmem>>)
      tpu.yield
    }) : () -> ()
    %barrier3A = arith.constant 0 : index
    tpu.barrier barrier_id(%barrier3A)
    %get3A = arith.constant 0 : i32
    %get3A_1 = arith.index_cast %get3A : i32 to index
    %get3A_2 = arith.constant 0 : index
    %get3A_3 = tpu.vector_load %arg6[%get3A_1, %get3A_2] {strides = array<i32>} : memref<80x128xi32, #tpu.memory_space<vmem>>, vector<1x16xi32>,
    %get3A_4 = vector.shape_cast %get3A_3 : vector<1x16xi32> to vector<16xi32>
    %and3A = arith.constant 65535 : i32
    %and3A_5 = vector.broadcast %and3A : i32 to vector<16xi32>
    %and3A_6 = arith.andi %get3A_4, %and3A_5 : vector<16xi32>
    %swap3A = arith.constant 0 : index
    %swap3A_7 = tpu.vector_load %arg7[%swap3A] {strides = array<i32>} : memref<128xi32, #tpu.memory_space<vmem>>, vector<16xi32>,
    %swap3A_8 = vector.shape_cast %swap3A_7 : vector<16xi32> to vector<16xi32>
    %swap3A_9 = vector.shape_cast %and3A_6 : vector<16xi32> to vector<16xi32>
    tpu.vector_store %arg7[%swap3A], %swap3A_9 {strides = array<i32>} : memref<128xi32, #tpu.memory_space<vmem>>, vector<16xi32>,
    %shift_right_logical3A = arith.constant 16 : i32
    %shift_right_logical3A_10 = vector.broadcast %shift_right_logical3A : i32 to vector<16xi32>
    %shift_right_logical3A_11 = arith.shrui %get3A_4, %shift_right_logical3A_10 : vector<16xi32>
    %swap3A_12 = arith.constant 0 : index
    %swap3A_13 = tpu.vector_load %arg9[%swap3A_12] {strides = array<i32>} : memref<128xi32, #tpu.memory_space<vmem>>, vector<16xi32>,
    %swap3A_14 = vector.shape_cast %swap3A_13 : vector<16xi32> to vector<16xi32>
    %swap3A_15 = vector.shape_cast %shift_right_logical3A_11 : vector<16xi32> to vector<16xi32>
    tpu.vector_store %arg9[%swap3A_12], %swap3A_15 {strides = array<i32>} : memref<128xi32, #tpu.memory_space<vmem>>, vector<16xi32>,
    %get3A_16 = arith.constant 0 : i32
    %get3A_17 = arith.index_cast %get3A_16 : i32 to index
    %get3A_18 = arith.constant 16 : index
    %get3A_19 = tpu.vector_load %arg6[%get3A_17, %get3A_18] {strides = array<i32>} : memref<80x128xi32, #tpu.memory_space<vmem>>, vector<1x16xi32>,
    %get3A_20 = vector.shape_cast %get3A_19 : vector<1x16xi32> to vector<16xi32>
    %and3A_21 = arith.constant 65535 : i32
    %and3A_22 = vector.broadcast %and3A_21 : i32 to vector<16xi32>
    %and3A_23 = arith.andi %get3A_20, %and3A_22 : vector<16xi32>
    %swap3A_24 = arith.constant 16 : index
    %swap3A_25 = tpu.vector_load %arg7[%swap3A_24] {strides = array<i32>} : memref<128xi32, #tpu.memory_space<vmem>>, vector<16xi32>,
    %swap3A_26 = vector.shape_cast %swap3A_25 : vector<16xi32> to vector<16xi32>
    %swap3A_27 = vector.shape_cast %and3A_23 : vector<16xi32> to vector<16xi32>
    tpu.vector_store %arg7[%swap3A_24], %swap3A_27 {strides = array<i32>} : memref<128xi32, #tpu.memory_space<vmem>>, vector<16xi32>,
    %shift_right_logical3A_28 = arith.constant 16 : i32
    %shift_right_logical3A_29 = vector.broadcast %shift_right_logical3A_28 : i32 to vector<16xi32>
    %shift_right_logical3A_30 = arith.shrui %get3A_20, %shift_right_logical3A_29 : vector<16xi32>
    %swap3A_31 = arith.constant 16 : index
    %swap3A_32 = tpu.vector_load %arg9[%swap3A_31] {strides = array<i32>} : memref<128xi32, #tpu.memory_space<vmem>>, vector<16xi32>,
    %swap3A_33 = vector.shape_cast %swap3A_32 : vector<16xi32> to vector<16xi32>
    %swap3A_34 = vector.shape_cast %shift_right_logical3A_30 : vector<16xi32> to vector<16xi32>
    tpu.vector_store %arg9[%swap3A_31], %swap3A_34 {strides = array<i32>} : memref<128xi32, #tpu.memory_space<vmem>>, vector<16xi32>,
    %get3A_35 = arith.constant 0 : i32
    %get3A_36 = arith.index_cast %get3A_35 : i32 to index
    %get3A_37 = arith.constant 32 : index
    %get3A_38 = tpu.vector_load %arg6[%get3A_36, %get3A_37] {strides = array<i32>} : memref<80x128xi32, #tpu.memory_space<vmem>>, vector<1x16xi32>,
    %get3A_39 = vector.shape_cast %get3A_38 : vector<1x16xi32> to vector<16xi32>
    %and3A_40 = arith.constant 65535 : i32
    %and3A_41 = vector.broadcast %and3A_40 : i32 to vector<16xi32>
    %and3A_42 = arith.andi %get3A_39, %and3A_41 : vector<16xi32>
    %swap3A_43 = arith.constant 32 : index
    %swap3A_44 = tpu.vector_load %arg7[%swap3A_43] {strides = array<i32>} : memref<128xi32, #tpu.memory_space<vmem>>, vector<16xi32>,
    %swap3A_45 = vector.shape_cast %swap3A_44 : vector<16xi32> to vector<16xi32>
    %swap3A_46 = vector.shape_cast %and3A_42 : vector<16xi32> to vector<16xi32>
    tpu.vector_store %arg7[%swap3A_43], %swap3A_46 {strides = array<i32>} : memref<128xi32, #tpu.memory_space<vmem>>, vector<16xi32>,
    %shift_right_logical3A_47 = arith.constant 16 : i32
    %shift_right_logical3A_48 = vector.broadcast %shift_right_logical3A_47 : i32 to vector<16xi32>
    %shift_right_logical3A_49 = arith.shrui %get3A_39, %shift_right_logical3A_48 : vector<16xi32>
    %swap3A_50 = arith.constant 32 : index
    %swap3A_51 = tpu.vector_load %arg9[%swap3A_50] {strides = array<i32>} : memref<128xi32, #tpu.memory_space<vmem>>, vector<16xi32>,
    %swap3A_52 = vector.shape_cast %swap3A_51 : vector<16xi32> to vector<16xi32>
    %swap3A_53 = vector.shape_cast %shift_right_logical3A_49 : vector<16xi32> to vector<16xi32>
    tpu.vector_store %arg9[%swap3A_50], %swap3A_53 {strides = array<i32>} : memref<128xi32, #tpu.memory_space<vmem>>, vector<16xi32>,
    %get3A_54 = arith.constant 0 : i32
    %get3A_55 = arith.index_cast %get3A_54 : i32 to index
    %get3A_56 = arith.constant 48 : index
    %get3A_57 = tpu.vector_load %arg6[%get3A_55, %get3A_56] {strides = array<i32>} : memref<80x128xi32, #tpu.memory_space<vmem>>, vector<1x16xi32>,
    %get3A_58 = vector.shape_cast %get3A_57 : vector<1x16xi32> to vector<16xi32>
    %and3A_59 = arith.constant 65535 : i32
    %and3A_60 = vector.broadcast %and3A_59 : i32 to vector<16xi32>
    %and3A_61 = arith.andi %get3A_58, %and3A_60 : vector<16xi32>
    %swap3A_62 = arith.constant 48 : index
    %swap3A_63 = tpu.vector_load %arg7[%swap3A_62] {strides = array<i32>} : memref<128xi32, #tpu.memory_space<vmem>>, vector<16xi32>,
    %swap3A_64 = vector.shape_cast %swap3A_63 : vector<16xi32> to vector<16xi32>
    %swap3A_65 = vector.shape_cast %and3A_61 : vector<16xi32> to vector<16xi32>
    tpu.vector_store %arg7[%swap3A_62], %swap3A_65 {strides = array<i32>} : memref<128xi32, #tpu.memory_space<vmem>>, vector<16xi32>,
    %shift_right_logical3A_66 = arith.constant 16 : i32
    %shift_right_logical3A_67 = vector.broadcast %shift_right_logical3A_66 : i32 to vector<16xi32>
    %shift_right_logical3A_68 = arith.shrui %get3A_58, %shift_right_logical3A_67 : vector<16xi32>
    %swap3A_69 = arith.constant 48 : index
    %swap3A_70 = tpu.vector_load %arg9[%swap3A_69] {strides = array<i32>} : memref<128xi32, #tpu.memory_space<vmem>>, vector<16xi32>,
    %swap3A_71 = vector.shape_cast %swap3A_70 : vector<16xi32> to vector<16xi32>
    %swap3A_72 = vector.shape_cast %shift_right_logical3A_68 : vector<16xi32> to vector<16xi32>
    tpu.vector_store %arg9[%swap3A_69], %swap3A_72 {strides = array<i32>} : memref<128xi32, #tpu.memory_space<vmem>>, vector<16xi32>,
    %get3A_73 = arith.constant 0 : i32
    %get3A_74 = arith.index_cast %get3A_73 : i32 to index
    %get3A_75 = arith.constant 64 : index
    %get3A_76 = tpu.vector_load %arg6[%get3A_74, %get3A_75] {strides = array<i32>} : memref<80x128xi32, #tpu.memory_space<vmem>>, vector<1x16xi32>,
    %get3A_77 = vector.shape_cast %get3A_76 : vector<1x16xi32> to vector<16xi32>
    %and3A_78 = arith.constant 65535 : i32
    %and3A_79 = vector.broadcast %and3A_78 : i32 to vector<16xi32>
    %and3A_80 = arith.andi %get3A_77, %and3A_79 : vector<16xi32>
    %swap3A_81 = arith.constant 64 : index
    %swap3A_82 = tpu.vector_load %arg7[%swap3A_81] {strides = array<i32>} : memref<128xi32, #tpu.memory_space<vmem>>, vector<16xi32>,
    %swap3A_83 = vector.shape_cast %swap3A_82 : vector<16xi32> to vector<16xi32>
    %swap3A_84 = vector.shape_cast %and3A_80 : vector<16xi32> to vector<16xi32>
    tpu.vector_store %arg7[%swap3A_81], %swap3A_84 {strides = array<i32>} : memref<128xi32, #tpu.memory_space<vmem>>, vector<16xi32>,
    %shift_right_logical3A_85 = arith.constant 16 : i32
    %shift_right_logical3A_86 = vector.broadcast %shift_right_logical3A_85 : i32 to vector<16xi32>
    %shift_right_logical3A_87 = arith.shrui %get3A_77, %shift_right_logical3A_86 : vector<16xi32>
    %swap3A_88 = arith.constant 64 : index
    %swap3A_89 = tpu.vector_load %arg9[%swap3A_88] {strides = array<i32>} : memref<128xi32, #tpu.memory_space<vmem>>, vector<16xi32>,
    %swap3A_90 = vector.shape_cast %swap3A_89 : vector<16xi32> to vector<16xi32>
    %swap3A_91 = vector.shape_cast %shift_right_logical3A_87 : vector<16xi32> to vector<16xi32>
    tpu.vector_store %arg9[%swap3A_88], %swap3A_91 {strides = array<i32>} : memref<128xi32, #tpu.memory_space<vmem>>, vector<16xi32>,
    %get3A_92 = arith.constant 0 : i32
    %get3A_93 = arith.index_cast %get3A_92 : i32 to index
    %get3A_94 = arith.constant 80 : index
    %get3A_95 = tpu.vector_load %arg6[%get3A_93, %get3A_94] {strides = array<i32>} : memref<80x128xi32, #tpu.memory_space<vmem>>, vector<1x16xi32>,
    %get3A_96 = vector.shape_cast %get3A_95 : vector<1x16xi32> to vector<16xi32>
    %and3A_97 = arith.constant 65535 : i32
    %and3A_98 = vector.broadcast %and3A_97 : i32 to vector<16xi32>
    %and3A_99 = arith.andi %get3A_96, %and3A_98 : vector<16xi32>
    %swap3A_100 = arith.constant 80 : index
    %swap3A_101 = tpu.vector_load %arg7[%swap3A_100] {strides = array<i32>} : memref<128xi32, #tpu.memory_space<vmem>>, vector<16xi32>,
    %swap3A_102 = vector.shape_cast %swap3A_101 : vector<16xi32> to vector<16xi32>
    %swap3A_103 = vector.shape_cast %and3A_99 : vector<16xi32> to vector<16xi32>
    tpu.vector_store %arg7[%swap3A_100], %swap3A_103 {strides = array<i32>} : memref<128xi32, #tpu.memory_space<vmem>>, vector<16xi32>,
    %shift_right_logical3A_104 = arith.constant 16 : i32
    %shift_right_logical3A_105 = vector.broadcast %shift_right_logical3A_104 : i32 to vector<16xi32>
    %shift_right_logical3A_106 = arith.shrui %get3A_96, %shift_right_logical3A_105 : vector<16xi32>
    %swap3A_107 = arith.constant 80 : index
    %swap3A_108 = tpu.vector_load %arg9[%swap3A_107] {strides = array<i32>} : memref<128xi32, #tpu.memory_space<vmem>>, vector<16xi32>,
    %swap3A_109 = vector.shape_cast %swap3A_108 : vector<16xi32> to vector<16xi32>
    %swap3A_110 = vector.shape_cast %shift_right_logical3A_106 : vector<16xi32> to vector<16xi32>
    tpu.vector_store %arg9[%swap3A_107], %swap3A_110 {strides = array<i32>} : memref<128xi32, #tpu.memory_space<vmem>>, vector<16xi32>,
    %get3A_111 = arith.constant 0 : i32
    %get3A_112 = arith.index_cast %get3A_111 : i32 to index
    %get3A_113 = arith.constant 96 : index
    %get3A_114 = tpu.vector_load %arg6[%get3A_112, %get3A_113] {strides = array<i32>} : memref<80x128xi32, #tpu.memory_space<vmem>>, vector<1x16xi32>,
    %get3A_115 = vector.shape_cast %get3A_114 : vector<1x16xi32> to vector<16xi32>
    %and3A_116 = arith.constant 65535 : i32
    %and3A_117 = vector.broadcast %and3A_116 : i32 to vector<16xi32>
    %and3A_118 = arith.andi %get3A_115, %and3A_117 : vector<16xi32>
    %swap3A_119 = arith.constant 96 : index
    %swap3A_120 = tpu.vector_load %arg7[%swap3A_119] {strides = array<i32>} : memref<128xi32, #tpu.memory_space<vmem>>, vector<16xi32>,
    %swap3A_121 = vector.shape_cast %swap3A_120 : vector<16xi32> to vector<16xi32>
    %swap3A_122 = vector.shape_cast %and3A_118 : vector<16xi32> to vector<16xi32>
    tpu.vector_store %arg7[%swap3A_119], %swap3A_122 {strides = array<i32>} : memref<128xi32, #tpu.memory_space<vmem>>, vector<16xi32>,
    %shift_right_logical3A_123 = arith.constant 16 : i32
    %shift_right_logical3A_124 = vector.broadcast %shift_right_logical3A_123 : i32 to vector<16xi32>
    %shift_right_logical3A_125 = arith.shrui %get3A_115, %shift_right_logical3A_124 : vector<16xi32>
    %swap3A_126 = arith.constant 96 : index
    %swap3A_127 = tpu.vector_load %arg9[%swap3A_126] {strides = array<i32>} : memref<128xi32, #tpu.memory_space<vmem>>, vector<16xi32>,
    %swap3A_128 = vector.shape_cast %swap3A_127 : vector<16xi32> to vector<16xi32>
    %swap3A_129 = vector.shape_cast %shift_right_logical3A_125 : vector<16xi32> to vector<16xi32>
    tpu.vector_store %arg9[%swap3A_126], %swap3A_129 {strides = array<i32>} : memref<128xi32, #tpu.memory_space<vmem>>, vector<16xi32>,
    %get3A_130 = arith.constant 0 : i32
    %get3A_131 = arith.index_cast %get3A_130 : i32 to index
    %get3A_132 = arith.constant 112 : index
    %get3A_133 = tpu.vector_load %arg6[%get3A_131, %get3A_132] {strides = array<i32>} : memref<80x128xi32, #tpu.memory_space<vmem>>, vector<1x16xi32>,
    %get3A_134 = vector.shape_cast %get3A_133 : vector<1x16xi32> to vector<16xi32>
    %and3A_135 = arith.constant 65535 : i32
    %and3A_136 = vector.broadcast %and3A_135 : i32 to vector<16xi32>
    %and3A_137 = arith.andi %get3A_134, %and3A_136 : vector<16xi32>
    %swap3A_138 = arith.constant 112 : index
    %swap3A_139 = tpu.vector_load %arg7[%swap3A_138] {strides = array<i32>} : memref<128xi32, #tpu.memory_space<vmem>>, vector<16xi32>,
    %swap3A_140 = vector.shape_cast %swap3A_139 : vector<16xi32> to vector<16xi32>
    %swap3A_141 = vector.shape_cast %and3A_137 : vector<16xi32> to vector<16xi32>
    tpu.vector_store %arg7[%swap3A_138], %swap3A_141 {strides = array<i32>} : memref<128xi32, #tpu.memory_space<vmem>>, vector<16xi32>,
    %shift_right_logical3A_142 = arith.constant 16 : i32
    %shift_right_logical3A_143 = vector.broadcast %shift_right_logical3A_142 : i32 to vector<16xi32>
    %shift_right_logical3A_144 = arith.shrui %get3A_134, %shift_right_logical3A_143 : vector<16xi32>
    %swap3A_145 = arith.constant 112 : index
    %swap3A_146 = tpu.vector_load %arg9[%swap3A_145] {strides = array<i32>} : memref<128xi32, #tpu.memory_space<vmem>>, vector<16xi32>,
    %swap3A_147 = vector.shape_cast %swap3A_146 : vector<16xi32> to vector<16xi32>
    %swap3A_148 = vector.shape_cast %shift_right_logical3A_144 : vector<16xi32> to vector<16xi32>
    tpu.vector_store %arg9[%swap3A_145], %swap3A_148 {strides = array<i32>} : memref<128xi32, #tpu.memory_space<vmem>>, vector<16xi32>,
    %dma_start3A = arith.constant 0 : i32
    %dma_start3A_149 = arith.constant 0 : i32
    %dma_start3A_150 = tpu.memref_slice %arg2[%dma_start3A, %dma_start3A_149] : memref<10000x128xf32, #tpu.memory_space<hbm>> -> memref<10000x128xf32, #tpu.memory_space<hbm>>
    tpu.enqueue_indirect_dma source(%dma_start3A_150 : memref<10000x128xf32, #tpu.memory_space<hbm>>) target(%arg11 : memref<128x128xf32, #tpu.memory_space<vmem>>) offsets(%arg7 : memref<128xi32, #tpu.memory_space<vmem>>) semaphore(%arg14 : memref<!tpu.dma_semaphore, #tpu.memory_space<semaphore_mem>>)
    %get3A_151 = arith.constant 1 : i32
    %get3A_152 = arith.index_cast %get3A_151 : i32 to index
    %get3A_153 = arith.constant 0 : index
    %get3A_154 = tpu.vector_load %arg6[%get3A_152, %get3A_153] {strides = array<i32>} : memref<80x128xi32, #tpu.memory_space<vmem>>, vector<1x16xi32>,
    %get3A_155 = vector.shape_cast %get3A_154 : vector<1x16xi32> to vector<16xi32>
    %and3A_156 = arith.constant 65535 : i32
    %and3A_157 = vector.broadcast %and3A_156 : i32 to vector<16xi32>
    %and3A_158 = arith.andi %get3A_155, %and3A_157 : vector<16xi32>
    %swap3A_159 = arith.constant 0 : index
    %swap3A_160 = tpu.vector_load %arg8[%swap3A_159] {strides = array<i32>} : memref<128xi32, #tpu.memory_space<vmem>>, vector<16xi32>,
    %swap3A_161 = vector.shape_cast %swap3A_160 : vector<16xi32> to vector<16xi32>
    %swap3A_162 = vector.shape_cast %and3A_158 : vector<16xi32> to vector<16xi32>
    tpu.vector_store %arg8[%swap3A_159], %swap3A_162 {strides = array<i32>} : memref<128xi32, #tpu.memory_space<vmem>>, vector<16xi32>,
    %shift_right_logical3A_163 = arith.constant 16 : i32
    %shift_right_logical3A_164 = vector.broadcast %shift_right_logical3A_163 : i32 to vector<16xi32>
    %shift_right_logical3A_165 = arith.shrui %get3A_155, %shift_right_logical3A_164 : vector<16xi32>
    %swap3A_166 = arith.constant 0 : index
    %swap3A_167 = tpu.vector_load %arg10[%swap3A_166] {strides = array<i32>} : memref<128xi32, #tpu.memory_space<vmem>>, vector<16xi32>,
    %swap3A_168 = vector.shape_cast %swap3A_167 : vector<16xi32> to vector<16xi32>
    %swap3A_169 = vector.shape_cast %shift_right_logical3A_165 : vector<16xi32> to vector<16xi32>
    tpu.vector_store %arg10[%swap3A_166], %swap3A_169 {strides = array<i32>} : memref<128xi32, #tpu.memory_space<vmem>>, vector<16xi32>,
    %get3A_170 = arith.constant 1 : i32
    %get3A_171 = arith.index_cast %get3A_170 : i32 to index
    %get3A_172 = arith.constant 16 : index
    %get3A_173 = tpu.vector_load %arg6[%get3A_171, %get3A_172] {strides = array<i32>} : memref<80x128xi32, #tpu.memory_space<vmem>>, vector<1x16xi32>,
    %get3A_174 = vector.shape_cast %get3A_173 : vector<1x16xi32> to vector<16xi32>
    %and3A_175 = arith.constant 65535 : i32
    %and3A_176 = vector.broadcast %and3A_175 : i32 to vector<16xi32>
    %and3A_177 = arith.andi %get3A_174, %and3A_176 : vector<16xi32>
    %swap3A_178 = arith.constant 16 : index
    %swap3A_179 = tpu.vector_load %arg8[%swap3A_178] {strides = array<i32>} : memref<128xi32, #tpu.memory_space<vmem>>, vector<16xi32>,
    %swap3A_180 = vector.shape_cast %swap3A_179 : vector<16xi32> to vector<16xi32>
    %swap3A_181 = vector.shape_cast %and3A_177 : vector<16xi32> to vector<16xi32>
    tpu.vector_store %arg8[%swap3A_178], %swap3A_181 {strides = array<i32>} : memref<128xi32, #tpu.memory_space<vmem>>, vector<16xi32>,
    %shift_right_logical3A_182 = arith.constant 16 : i32
    %shift_right_logical3A_183 = vector.broadcast %shift_right_logical3A_182 : i32 to vector<16xi32>
    %shift_right_logical3A_184 = arith.shrui %get3A_174, %shift_right_logical3A_183 : vector<16xi32>
    %swap3A_185 = arith.constant 16 : index
    %swap3A_186 = tpu.vector_load %arg10[%swap3A_185] {strides = array<i32>} : memref<128xi32, #tpu.memory_space<vmem>>, vector<16xi32>,
    %swap3A_187 = vector.shape_cast %swap3A_186 : vector<16xi32> to vector<16xi32>
    %swap3A_188 = vector.shape_cast %shift_right_logical3A_184 : vector<16xi32> to vector<16xi32>
    tpu.vector_store %arg10[%swap3A_185], %swap3A_188 {strides = array<i32>} : memref<128xi32, #tpu.memory_space<vmem>>, vector<16xi32>,
    %get3A_189 = arith.constant 1 : i32
    %get3A_190 = arith.index_cast %get3A_189 : i32 to index
    %get3A_191 = arith.constant 32 : index
    %get3A_192 = tpu.vector_load %arg6[%get3A_190, %get3A_191] {strides = array<i32>} : memref<80x128xi32, #tpu.memory_space<vmem>>, vector<1x16xi32>,
    %get3A_193 = vector.shape_cast %get3A_192 : vector<1x16xi32> to vector<16xi32>
    %and3A_194 = arith.constant 65535 : i32
    %and3A_195 = vector.broadcast %and3A_194 : i32 to vector<16xi32>
    %and3A_196 = arith.andi %get3A_193, %and3A_195 : vector<16xi32>
    %swap3A_197 = arith.constant 32 : index
    %swap3A_198 = tpu.vector_load %arg8[%swap3A_197] {strides = array<i32>} : memref<128xi32, #tpu.memory_space<vmem>>, vector<16xi32>,
    %swap3A_199 = vector.shape_cast %swap3A_198 : vector<16xi32> to vector<16xi32>
    %swap3A_200 = vector.shape_cast %and3A_196 : vector<16xi32> to vector<16xi32>
    tpu.vector_store %arg8[%swap3A_197], %swap3A_200 {strides = array<i32>} : memref<128xi32, #tpu.memory_space<vmem>>, vector<16xi32>,
    %shift_right_logical3A_201 = arith.constant 16 : i32
    %shift_right_logical3A_202 = vector.broadcast %shift_right_logical3A_201 : i32 to vector<16xi32>
    %shift_right_logical3A_203 = arith.shrui %get3A_193, %shift_right_logical3A_202 : vector<16xi32>
    %swap3A_204 = arith.constant 32 : index
    %swap3A_205 = tpu.vector_load %arg10[%swap3A_204] {strides = array<i32>} : memref<128xi32, #tpu.memory_space<vmem>>, vector<16xi32>,
    %swap3A_206 = vector.shape_cast %swap3A_205 : vector<16xi32> to vector<16xi32>
    %swap3A_207 = vector.shape_cast %shift_right_logical3A_203 : vector<16xi32> to vector<16xi32>
    tpu.vector_store %arg10[%swap3A_204], %swap3A_207 {strides = array<i32>} : memref<128xi32, #tpu.memory_space<vmem>>, vector<16xi32>,
    %get3A_208 = arith.constant 1 : i32
    %get3A_209 = arith.index_cast %get3A_208 : i32 to index
    %get3A_210 = arith.constant 48 : index
    %get3A_211 = tpu.vector_load %arg6[%get3A_209, %get3A_210] {strides = array<i32>} : memref<80x128xi32, #tpu.memory_space<vmem>>, vector<1x16xi32>,
    %get3A_212 = vector.shape_cast %get3A_211 : vector<1x16xi32> to vector<16xi32>
    %and3A_213 = arith.constant 65535 : i32
    %and3A_214 = vector.broadcast %and3A_213 : i32 to vector<16xi32>
    %and3A_215 = arith.andi %get3A_212, %and3A_214 : vector<16xi32>
    %swap3A_216 = arith.constant 48 : index
    %swap3A_217 = tpu.vector_load %arg8[%swap3A_216] {strides = array<i32>} : memref<128xi32, #tpu.memory_space<vmem>>, vector<16xi32>,
    %swap3A_218 = vector.shape_cast %swap3A_217 : vector<16xi32> to vector<16xi32>
    %swap3A_219 = vector.shape_cast %and3A_215 : vector<16xi32> to vector<16xi32>
    tpu.vector_store %arg8[%swap3A_216], %swap3A_219 {strides = array<i32>} : memref<128xi32, #tpu.memory_space<vmem>>, vector<16xi32>,
    %shift_right_logical3A_220 = arith.constant 16 : i32
    %shift_right_logical3A_221 = vector.broadcast %shift_right_logical3A_220 : i32 to vector<16xi32>
    %shift_right_logical3A_222 = arith.shrui %get3A_212, %shift_right_logical3A_221 : vector<16xi32>
    %swap3A_223 = arith.constant 48 : index
    %swap3A_224 = tpu.vector_load %arg10[%swap3A_223] {strides = array<i32>} : memref<128xi32, #tpu.memory_space<vmem>>, vector<16xi32>,
    %swap3A_225 = vector.shape_cast %swap3A_224 : vector<16xi32> to vector<16xi32>
    %swap3A_226 = vector.shape_cast %shift_right_logical3A_222 : vector<16xi32> to vector<16xi32>
    tpu.vector_store %arg10[%swap3A_223], %swap3A_226 {strides = array<i32>} : memref<128xi32, #tpu.memory_space<vmem>>, vector<16xi32>,
    %get3A_227 = arith.constant 1 : i32
    %get3A_228 = arith.index_cast %get3A_227 : i32 to index
    %get3A_229 = arith.constant 64 : index
    %get3A_230 = tpu.vector_load %arg6[%get3A_228, %get3A_229] {strides = array<i32>} : memref<80x128xi32, #tpu.memory_space<vmem>>, vector<1x16xi32>,
    %get3A_231 = vector.shape_cast %get3A_230 : vector<1x16xi32> to vector<16xi32>
    %and3A_232 = arith.constant 65535 : i32
    %and3A_233 = vector.broadcast %and3A_232 : i32 to vector<16xi32>
    %and3A_234 = arith.andi %get3A_231, %and3A_233 : vector<16xi32>
    %swap3A_235 = arith.constant 64 : index
    %swap3A_236 = tpu.vector_load %arg8[%swap3A_235] {strides = array<i32>} : memref<128xi32, #tpu.memory_space<vmem>>, vector<16xi32>,
    %swap3A_237 = vector.shape_cast %swap3A_236 : vector<16xi32> to vector<16xi32>
    %swap3A_238 = vector.shape_cast %and3A_234 : vector<16xi32> to vector<16xi32>
    tpu.vector_store %arg8[%swap3A_235], %swap3A_238 {strides = array<i32>} : memref<128xi32, #tpu.memory_space<vmem>>, vector<16xi32>,
    %shift_right_logical3A_239 = arith.constant 16 : i32
    %shift_right_logical3A_240 = vector.broadcast %shift_right_logical3A_239 : i32 to vector<16xi32>
    %shift_right_logical3A_241 = arith.shrui %get3A_231, %shift_right_logical3A_240 : vector<16xi32>
    %swap3A_242 = arith.constant 64 : index
    %swap3A_243 = tpu.vector_load %arg10[%swap3A_242] {strides = array<i32>} : memref<128xi32, #tpu.memory_space<vmem>>, vector<16xi32>,
    %swap3A_244 = vector.shape_cast %swap3A_243 : vector<16xi32> to vector<16xi32>
    %swap3A_245 = vector.shape_cast %shift_right_logical3A_241 : vector<16xi32> to vector<16xi32>
    tpu.vector_store %arg10[%swap3A_242], %swap3A_245 {strides = array<i32>} : memref<128xi32, #tpu.memory_space<vmem>>, vector<16xi32>,
    %get3A_246 = arith.constant 1 : i32
    %get3A_247 = arith.index_cast %get3A_246 : i32 to index
    %get3A_248 = arith.constant 80 : index
    %get3A_249 = tpu.vector_load %arg6[%get3A_247, %get3A_248] {strides = array<i32>} : memref<80x128xi32, #tpu.memory_space<vmem>>, vector<1x16xi32>,
    %get3A_250 = vector.shape_cast %get3A_249 : vector<1x16xi32> to vector<16xi32>
    %and3A_251 = arith.constant 65535 : i32
    %and3A_252 = vector.broadcast %and3A_251 : i32 to vector<16xi32>
    %and3A_253 = arith.andi %get3A_250, %and3A_252 : vector<16xi32>
    %swap3A_254 = arith.constant 80 : index
    %swap3A_255 = tpu.vector_load %arg8[%swap3A_254] {strides = array<i32>} : memref<128xi32, #tpu.memory_space<vmem>>, vector<16xi32>,
    %swap3A_256 = vector.shape_cast %swap3A_255 : vector<16xi32> to vector<16xi32>
    %swap3A_257 = vector.shape_cast %and3A_253 : vector<16xi32> to vector<16xi32>
    tpu.vector_store %arg8[%swap3A_254], %swap3A_257 {strides = array<i32>} : memref<128xi32, #tpu.memory_space<vmem>>, vector<16xi32>,
    %shift_right_logical3A_258 = arith.constant 16 : i32
    %shift_right_logical3A_259 = vector.broadcast %shift_right_logical3A_258 : i32 to vector<16xi32>
    %shift_right_logical3A_260 = arith.shrui %get3A_250, %shift_right_logical3A_259 : vector<16xi32>
    %swap3A_261 = arith.constant 80 : index
    %swap3A_262 = tpu.vector_load %arg10[%swap3A_261] {strides = array<i32>} : memref<128xi32, #tpu.memory_space<vmem>>, vector<16xi32>,
    %swap3A_263 = vector.shape_cast %swap3A_262 : vector<16xi32> to vector<16xi32>
    %swap3A_264 = vector.shape_cast %shift_right_logical3A_260 : vector<16xi32> to vector<16xi32>
    tpu.vector_store %arg10[%swap3A_261], %swap3A_264 {strides = array<i32>} : memref<128xi32, #tpu.memory_space<vmem>>, vector<16xi32>,
    %get3A_265 = arith.constant 1 : i32
    %get3A_266 = arith.index_cast %get3A_265 : i32 to index
    %get3A_267 = arith.constant 96 : index
    %get3A_268 = tpu.vector_load %arg6[%get3A_266, %get3A_267] {strides = array<i32>} : memref<80x128xi32, #tpu.memory_space<vmem>>, vector<1x16xi32>,
    %get3A_269 = vector.shape_cast %get3A_268 : vector<1x16xi32> to vector<16xi32>
    %and3A_270 = arith.constant 65535 : i32
    %and3A_271 = vector.broadcast %and3A_270 : i32 to vector<16xi32>
    %and3A_272 = arith.andi %get3A_269, %and3A_271 : vector<16xi32>
    %swap3A_273 = arith.constant 96 : index
    %swap3A_274 = tpu.vector_load %arg8[%swap3A_273] {strides = array<i32>} : memref<128xi32, #tpu.memory_space<vmem>>, vector<16xi32>,
    %swap3A_275 = vector.shape_cast %swap3A_274 : vector<16xi32> to vector<16xi32>
    %swap3A_276 = vector.shape_cast %and3A_272 : vector<16xi32> to vector<16xi32>
    tpu.vector_store %arg8[%swap3A_273], %swap3A_276 {strides = array<i32>} : memref<128xi32, #tpu.memory_space<vmem>>, vector<16xi32>,
    %shift_right_logical3A_277 = arith.constant 16 : i32
    %shift_right_logical3A_278 = vector.broadcast %shift_right_logical3A_277 : i32 to vector<16xi32>
    %shift_right_logical3A_279 = arith.shrui %get3A_269, %shift_right_logical3A_278 : vector<16xi32>
    %swap3A_280 = arith.constant 96 : index
    %swap3A_281 = tpu.vector_load %arg10[%swap3A_280] {strides = array<i32>} : memref<128xi32, #tpu.memory_space<vmem>>, vector<16xi32>,
    %swap3A_282 = vector.shape_cast %swap3A_281 : vector<16xi32> to vector<16xi32>
    %swap3A_283 = vector.shape_cast %shift_right_logical3A_279 : vector<16xi32> to vector<16xi32>
    tpu.vector_store %arg10[%swap3A_280], %swap3A_283 {strides = array<i32>} : memref<128xi32, #tpu.memory_space<vmem>>, vector<16xi32>,
    %get3A_284 = arith.constant 1 : i32
    %get3A_285 = arith.index_cast %get3A_284 : i32 to index
    %get3A_286 = arith.constant 112 : index
    %get3A_287 = tpu.vector_load %arg6[%get3A_285, %get3A_286] {strides = array<i32>} : memref<80x128xi32, #tpu.memory_space<vmem>>, vector<1x16xi32>,
    %get3A_288 = vector.shape_cast %get3A_287 : vector<1x16xi32> to vector<16xi32>
    %and3A_289 = arith.constant 65535 : i32
    %and3A_290 = vector.broadcast %and3A_289 : i32 to vector<16xi32>
    %and3A_291 = arith.andi %get3A_288, %and3A_290 : vector<16xi32>
    %swap3A_292 = arith.constant 112 : index
    %swap3A_293 = tpu.vector_load %arg8[%swap3A_292] {strides = array<i32>} : memref<128xi32, #tpu.memory_space<vmem>>, vector<16xi32>,
    %swap3A_294 = vector.shape_cast %swap3A_293 : vector<16xi32> to vector<16xi32>
    %swap3A_295 = vector.shape_cast %and3A_291 : vector<16xi32> to vector<16xi32>
    tpu.vector_store %arg8[%swap3A_292], %swap3A_295 {strides = array<i32>} : memref<128xi32, #tpu.memory_space<vmem>>, vector<16xi32>,
    %shift_right_logical3A_296 = arith.constant 16 : i32
    %shift_right_logical3A_297 = vector.broadcast %shift_right_logical3A_296 : i32 to vector<16xi32>
    %shift_right_logical3A_298 = arith.shrui %get3A_288, %shift_right_logical3A_297 : vector<16xi32>
    %swap3A_299 = arith.constant 112 : index
    %swap3A_300 = tpu.vector_load %arg10[%swap3A_299] {strides = array<i32>} : memref<128xi32, #tpu.memory_space<vmem>>, vector<16xi32>,
    %swap3A_301 = vector.shape_cast %swap3A_300 : vector<16xi32> to vector<16xi32>
    %swap3A_302 = vector.shape_cast %shift_right_logical3A_298 : vector<16xi32> to vector<16xi32>
    tpu.vector_store %arg10[%swap3A_299], %swap3A_302 {strides = array<i32>} : memref<128xi32, #tpu.memory_space<vmem>>, vector<16xi32>,
    %dma_start3A_303 = arith.constant 0 : i32
    %dma_start3A_304 = arith.constant 0 : i32
    %dma_start3A_305 = tpu.memref_slice %arg2[%dma_start3A_303, %dma_start3A_304] : memref<10000x128xf32, #tpu.memory_space<hbm>> -> memref<10000x128xf32, #tpu.memory_space<hbm>>
    tpu.enqueue_indirect_dma source(%dma_start3A_305 : memref<10000x128xf32, #tpu.memory_space<hbm>>) target(%arg12 : memref<128x128xf32, #tpu.memory_space<vmem>>) offsets(%arg8 : memref<128xi32, #tpu.memory_space<vmem>>) semaphore(%arg15 : memref<!tpu.dma_semaphore, #tpu.memory_space<semaphore_mem>>)
    %scan3A = arith.constant 0 : i32
    %scan3A_306 = arith.constant 0 : i32
    %scan3A_307 = arith.constant 40 : i32
    %scan3A_308 = arith.addi %scan3A_306, %scan3A_307 : i32
    %scan3A_309 = arith.constant 1 : i32
    scf.for %scan3A_312 = %scan3A_306 to %scan3A_308 step %scan3A_309  : i32 {
      %mul3A_313 = arith.constant 2 : i32
      %mul3A_314 = arith.muli %scan3A_312, %mul3A_313 : i32
      %dma_wait3A = arith.constant 0 : i32
      %dma_wait3A_315 = arith.constant 0 : i32
      %dma_wait3A_316 = tpu.memref_slice %arg2[%dma_wait3A, %dma_wait3A_315] : memref<10000x128xf32, #tpu.memory_space<hbm>> -> memref<10000x128xf32, #tpu.memory_space<hbm>>
      tpu.wait_indirect_dma semaphore(%arg14 : memref<!tpu.dma_semaphore, #tpu.memory_space<semaphore_mem>>) src(%dma_wait3A_316 : memref<10000x128xf32, #tpu.memory_space<hbm>>) dst(%arg11 : memref<128x128xf32, #tpu.memory_space<vmem>>)
      "tpu.region"() ({
        %run_scoped3A = tpu.sem_alloc : memref<!tpu.dma_semaphore, #tpu.memory_space<semaphore_mem>>
        %dma_start3A_334 = arith.constant 0 : i32
        %dma_start3A_335 = arith.constant 0 : i32
        %dma_start3A_336 = tpu.memref_slice %arg13[%dma_start3A_334, %dma_start3A_335] : memref<10112x128xf32, #tpu.memory_space<vmem_shared>> -> memref<10112x128xf32, #tpu.memory_space<vmem_shared>>
        tpu.enqueue_indirect_dma source(%arg11 : memref<128x128xf32, #tpu.memory_space<vmem>>) target(%dma_start3A_336 : memref<10112x128xf32, #tpu.memory_space<vmem_shared>>) offsets(%arg9 : memref<128xi32, #tpu.memory_space<vmem>>) semaphore(%run_scoped3A : memref<!tpu.dma_semaphore, #tpu.memory_space<semaphore_mem>>) {add = true}
        %dma_wait3A_337 = arith.constant 0 : i32
        %dma_wait3A_338 = arith.constant 0 : i32
        %dma_wait3A_339 = tpu.memref_slice %arg13[%dma_wait3A_337, %dma_wait3A_338] : memref<10112x128xf32, #tpu.memory_space<vmem_shared>> -> memref<10112x128xf32, #tpu.memory_space<vmem_shared>>
        tpu.wait_indirect_dma semaphore(%run_scoped3A : memref<!tpu.dma_semaphore, #tpu.memory_space<semaphore_mem>>) src(%arg11 : memref<128x128xf32, #tpu.memory_space<vmem>>) dst(%dma_wait3A_339 : memref<10112x128xf32, #tpu.memory_space<vmem_shared>>)
        tpu.yield
      }) : () -> ()
      %add3A = arith.constant 0 : i32
      %add3A_317 = arith.addi %mul3A_314, %add3A : i32
      %add3A_318 = arith.constant 2 : i32
      %add3A_319 = arith.addi %add3A_317, %add3A_318 : i32
      %lt3A = arith.constant 80 : i32
      %lt3A_320 = arith.cmpi slt, %add3A_319, %lt3A : i32
      %convert_element_type3A = arith.extui %lt3A_320 : i1 to i32
      %cond3A = arith.constant 0 : i32
      %cond3A_321 = arith.cmpi ne, %convert_element_type3A, %cond3A : i32
      scf.if %cond3A_321 {
        %get3A_334 = arith.index_cast %add3A_319 : i32 to index
        %get3A_335 = arith.constant 0 : index
        %get3A_336 = tpu.vector_load %arg6[%get3A_334, %get3A_335] {strides = array<i32>} : memref<80x128xi32, #tpu.memory_space<vmem>>, vector<1x16xi32>,
        %get3A_337 = vector.shape_cast %get3A_336 : vector<1x16xi32> to vector<16xi32>
        %and3A_338 = arith.constant 65535 : i32
        %and3A_339 = vector.broadcast %and3A_338 : i32 to vector<16xi32>
        %and3A_340 = arith.andi %get3A_337, %and3A_339 : vector<16xi32>
        %swap3A_341 = arith.constant 0 : index
        %swap3A_342 = tpu.vector_load %arg7[%swap3A_341] {strides = array<i32>} : memref<128xi32, #tpu.memory_space<vmem>>, vector<16xi32>,
        %swap3A_343 = vector.shape_cast %swap3A_342 : vector<16xi32> to vector<16xi32>
        %swap3A_344 = vector.shape_cast %and3A_340 : vector<16xi32> to vector<16xi32>
        tpu.vector_store %arg7[%swap3A_341], %swap3A_344 {strides = array<i32>} : memref<128xi32, #tpu.memory_space<vmem>>, vector<16xi32>,
        %shift_right_logical3A_345 = arith.constant 16 : i32
        %shift_right_logical3A_346 = vector.broadcast %shift_right_logical3A_345 : i32 to vector<16xi32>
        %shift_right_logical3A_347 = arith.shrui %get3A_337, %shift_right_logical3A_346 : vector<16xi32>
        %swap3A_348 = arith.constant 0 : index
        %swap3A_349 = tpu.vector_load %arg9[%swap3A_348] {strides = array<i32>} : memref<128xi32, #tpu.memory_space<vmem>>, vector<16xi32>,
        %swap3A_350 = vector.shape_cast %swap3A_349 : vector<16xi32> to vector<16xi32>
        %swap3A_351 = vector.shape_cast %shift_right_logical3A_347 : vector<16xi32> to vector<16xi32>
        tpu.vector_store %arg9[%swap3A_348], %swap3A_351 {strides = array<i32>} : memref<128xi32, #tpu.memory_space<vmem>>, vector<16xi32>,
        %get3A_352 = arith.index_cast %add3A_319 : i32 to index
        %get3A_353 = arith.constant 16 : index
        %get3A_354 = tpu.vector_load %arg6[%get3A_352, %get3A_353] {strides = array<i32>} : memref<80x128xi32, #tpu.memory_space<vmem>>, vector<1x16xi32>,
        %get3A_355 = vector.shape_cast %get3A_354 : vector<1x16xi32> to vector<16xi32>
        %and3A_356 = arith.constant 65535 : i32
        %and3A_357 = vector.broadcast %and3A_356 : i32 to vector<16xi32>
        %and3A_358 = arith.andi %get3A_355, %and3A_357 : vector<16xi32>
        %swap3A_359 = arith.constant 16 : index
        %swap3A_360 = tpu.vector_load %arg7[%swap3A_359] {strides = array<i32>} : memref<128xi32, #tpu.memory_space<vmem>>, vector<16xi32>,
        %swap3A_361 = vector.shape_cast %swap3A_360 : vector<16xi32> to vector<16xi32>
        %swap3A_362 = vector.shape_cast %and3A_358 : vector<16xi32> to vector<16xi32>
        tpu.vector_store %arg7[%swap3A_359], %swap3A_362 {strides = array<i32>} : memref<128xi32, #tpu.memory_space<vmem>>, vector<16xi32>,
        %shift_right_logical3A_363 = arith.constant 16 : i32
        %shift_right_logical3A_364 = vector.broadcast %shift_right_logical3A_363 : i32 to vector<16xi32>
        %shift_right_logical3A_365 = arith.shrui %get3A_355, %shift_right_logical3A_364 : vector<16xi32>
        %swap3A_366 = arith.constant 16 : index
        %swap3A_367 = tpu.vector_load %arg9[%swap3A_366] {strides = array<i32>} : memref<128xi32, #tpu.memory_space<vmem>>, vector<16xi32>,
        %swap3A_368 = vector.shape_cast %swap3A_367 : vector<16xi32> to vector<16xi32>
        %swap3A_369 = vector.shape_cast %shift_right_logical3A_365 : vector<16xi32> to vector<16xi32>
        tpu.vector_store %arg9[%swap3A_366], %swap3A_369 {strides = array<i32>} : memref<128xi32, #tpu.memory_space<vmem>>, vector<16xi32>,
        %get3A_370 = arith.index_cast %add3A_319 : i32 to index
        %get3A_371 = arith.constant 32 : index
        %get3A_372 = tpu.vector_load %arg6[%get3A_370, %get3A_371] {strides = array<i32>} : memref<80x128xi32, #tpu.memory_space<vmem>>, vector<1x16xi32>,
        %get3A_373 = vector.shape_cast %get3A_372 : vector<1x16xi32> to vector<16xi32>
        %and3A_374 = arith.constant 65535 : i32
        %and3A_375 = vector.broadcast %and3A_374 : i32 to vector<16xi32>
        %and3A_376 = arith.andi %get3A_373, %and3A_375 : vector<16xi32>
        %swap3A_377 = arith.constant 32 : index
        %swap3A_378 = tpu.vector_load %arg7[%swap3A_377] {strides = array<i32>} : memref<128xi32, #tpu.memory_space<vmem>>, vector<16xi32>,
        %swap3A_379 = vector.shape_cast %swap3A_378 : vector<16xi32> to vector<16xi32>
        %swap3A_380 = vector.shape_cast %and3A_376 : vector<16xi32> to vector<16xi32>
        tpu.vector_store %arg7[%swap3A_377], %swap3A_380 {strides = array<i32>} : memref<128xi32, #tpu.memory_space<vmem>>, vector<16xi32>,
        %shift_right_logical3A_381 = arith.constant 16 : i32
        %shift_right_logical3A_382 = vector.broadcast %shift_right_logical3A_381 : i32 to vector<16xi32>
        %shift_right_logical3A_383 = arith.shrui %get3A_373, %shift_right_logical3A_382 : vector<16xi32>
        %swap3A_384 = arith.constant 32 : index
        %swap3A_385 = tpu.vector_load %arg9[%swap3A_384] {strides = array<i32>} : memref<128xi32, #tpu.memory_space<vmem>>, vector<16xi32>,
        %swap3A_386 = vector.shape_cast %swap3A_385 : vector<16xi32> to vector<16xi32>
        %swap3A_387 = vector.shape_cast %shift_right_logical3A_383 : vector<16xi32> to vector<16xi32>
        tpu.vector_store %arg9[%swap3A_384], %swap3A_387 {strides = array<i32>} : memref<128xi32, #tpu.memory_space<vmem>>, vector<16xi32>,
        %get3A_388 = arith.index_cast %add3A_319 : i32 to index
        %get3A_389 = arith.constant 48 : index
        %get3A_390 = tpu.vector_load %arg6[%get3A_388, %get3A_389] {strides = array<i32>} : memref<80x128xi32, #tpu.memory_space<vmem>>, vector<1x16xi32>,
        %get3A_391 = vector.shape_cast %get3A_390 : vector<1x16xi32> to vector<16xi32>
        %and3A_392 = arith.constant 65535 : i32
        %and3A_393 = vector.broadcast %and3A_392 : i32 to vector<16xi32>
        %and3A_394 = arith.andi %get3A_391, %and3A_393 : vector<16xi32>
        %swap3A_395 = arith.constant 48 : index
        %swap3A_396 = tpu.vector_load %arg7[%swap3A_395] {strides = array<i32>} : memref<128xi32, #tpu.memory_space<vmem>>, vector<16xi32>,
        %swap3A_397 = vector.shape_cast %swap3A_396 : vector<16xi32> to vector<16xi32>
        %swap3A_398 = vector.shape_cast %and3A_394 : vector<16xi32> to vector<16xi32>
        tpu.vector_store %arg7[%swap3A_395], %swap3A_398 {strides = array<i32>} : memref<128xi32, #tpu.memory_space<vmem>>, vector<16xi32>,
        %shift_right_logical3A_399 = arith.constant 16 : i32
        %shift_right_logical3A_400 = vector.broadcast %shift_right_logical3A_399 : i32 to vector<16xi32>
        %shift_right_logical3A_401 = arith.shrui %get3A_391, %shift_right_logical3A_400 : vector<16xi32>
        %swap3A_402 = arith.constant 48 : index
        %swap3A_403 = tpu.vector_load %arg9[%swap3A_402] {strides = array<i32>} : memref<128xi32, #tpu.memory_space<vmem>>, vector<16xi32>,
        %swap3A_404 = vector.shape_cast %swap3A_403 : vector<16xi32> to vector<16xi32>
        %swap3A_405 = vector.shape_cast %shift_right_logical3A_401 : vector<16xi32> to vector<16xi32>
        tpu.vector_store %arg9[%swap3A_402], %swap3A_405 {strides = array<i32>} : memref<128xi32, #tpu.memory_space<vmem>>, vector<16xi32>,
        %get3A_406 = arith.index_cast %add3A_319 : i32 to index
        %get3A_407 = arith.constant 64 : index
        %get3A_408 = tpu.vector_load %arg6[%get3A_406, %get3A_407] {strides = array<i32>} : memref<80x128xi32, #tpu.memory_space<vmem>>, vector<1x16xi32>,
        %get3A_409 = vector.shape_cast %get3A_408 : vector<1x16xi32> to vector<16xi32>
        %and3A_410 = arith.constant 65535 : i32
        %and3A_411 = vector.broadcast %and3A_410 : i32 to vector<16xi32>
        %and3A_412 = arith.andi %get3A_409, %and3A_411 : vector<16xi32>
        %swap3A_413 = arith.constant 64 : index
        %swap3A_414 = tpu.vector_load %arg7[%swap3A_413] {strides = array<i32>} : memref<128xi32, #tpu.memory_space<vmem>>, vector<16xi32>,
        %swap3A_415 = vector.shape_cast %swap3A_414 : vector<16xi32> to vector<16xi32>
        %swap3A_416 = vector.shape_cast %and3A_412 : vector<16xi32> to vector<16xi32>
        tpu.vector_store %arg7[%swap3A_413], %swap3A_416 {strides = array<i32>} : memref<128xi32, #tpu.memory_space<vmem>>, vector<16xi32>,
        %shift_right_logical3A_417 = arith.constant 16 : i32
        %shift_right_logical3A_418 = vector.broadcast %shift_right_logical3A_417 : i32 to vector<16xi32>
        %shift_right_logical3A_419 = arith.shrui %get3A_409, %shift_right_logical3A_418 : vector<16xi32>
        %swap3A_420 = arith.constant 64 : index
        %swap3A_421 = tpu.vector_load %arg9[%swap3A_420] {strides = array<i32>} : memref<128xi32, #tpu.memory_space<vmem>>, vector<16xi32>,
        %swap3A_422 = vector.shape_cast %swap3A_421 : vector<16xi32> to vector<16xi32>
        %swap3A_423 = vector.shape_cast %shift_right_logical3A_419 : vector<16xi32> to vector<16xi32>
        tpu.vector_store %arg9[%swap3A_420], %swap3A_423 {strides = array<i32>} : memref<128xi32, #tpu.memory_space<vmem>>, vector<16xi32>,
        %get3A_424 = arith.index_cast %add3A_319 : i32 to index
        %get3A_425 = arith.constant 80 : index
        %get3A_426 = tpu.vector_load %arg6[%get3A_424, %get3A_425] {strides = array<i32>} : memref<80x128xi32, #tpu.memory_space<vmem>>, vector<1x16xi32>,
        %get3A_427 = vector.shape_cast %get3A_426 : vector<1x16xi32> to vector<16xi32>
        %and3A_428 = arith.constant 65535 : i32
        %and3A_429 = vector.broadcast %and3A_428 : i32 to vector<16xi32>
        %and3A_430 = arith.andi %get3A_427, %and3A_429 : vector<16xi32>
        %swap3A_431 = arith.constant 80 : index
        %swap3A_432 = tpu.vector_load %arg7[%swap3A_431] {strides = array<i32>} : memref<128xi32, #tpu.memory_space<vmem>>, vector<16xi32>,
        %swap3A_433 = vector.shape_cast %swap3A_432 : vector<16xi32> to vector<16xi32>
        %swap3A_434 = vector.shape_cast %and3A_430 : vector<16xi32> to vector<16xi32>
        tpu.vector_store %arg7[%swap3A_431], %swap3A_434 {strides = array<i32>} : memref<128xi32, #tpu.memory_space<vmem>>, vector<16xi32>,
        %shift_right_logical3A_435 = arith.constant 16 : i32
        %shift_right_logical3A_436 = vector.broadcast %shift_right_logical3A_435 : i32 to vector<16xi32>
        %shift_right_logical3A_437 = arith.shrui %get3A_427, %shift_right_logical3A_436 : vector<16xi32>
        %swap3A_438 = arith.constant 80 : index
        %swap3A_439 = tpu.vector_load %arg9[%swap3A_438] {strides = array<i32>} : memref<128xi32, #tpu.memory_space<vmem>>, vector<16xi32>,
        %swap3A_440 = vector.shape_cast %swap3A_439 : vector<16xi32> to vector<16xi32>
        %swap3A_441 = vector.shape_cast %shift_right_logical3A_437 : vector<16xi32> to vector<16xi32>
        tpu.vector_store %arg9[%swap3A_438], %swap3A_441 {strides = array<i32>} : memref<128xi32, #tpu.memory_space<vmem>>, vector<16xi32>,
        %get3A_442 = arith.index_cast %add3A_319 : i32 to index
        %get3A_443 = arith.constant 96 : index
        %get3A_444 = tpu.vector_load %arg6[%get3A_442, %get3A_443] {strides = array<i32>} : memref<80x128xi32, #tpu.memory_space<vmem>>, vector<1x16xi32>,
        %get3A_445 = vector.shape_cast %get3A_444 : vector<1x16xi32> to vector<16xi32>
        %and3A_446 = arith.constant 65535 : i32
        %and3A_447 = vector.broadcast %and3A_446 : i32 to vector<16xi32>
        %and3A_448 = arith.andi %get3A_445, %and3A_447 : vector<16xi32>
        %swap3A_449 = arith.constant 96 : index
        %swap3A_450 = tpu.vector_load %arg7[%swap3A_449] {strides = array<i32>} : memref<128xi32, #tpu.memory_space<vmem>>, vector<16xi32>,
        %swap3A_451 = vector.shape_cast %swap3A_450 : vector<16xi32> to vector<16xi32>
        %swap3A_452 = vector.shape_cast %and3A_448 : vector<16xi32> to vector<16xi32>
        tpu.vector_store %arg7[%swap3A_449], %swap3A_452 {strides = array<i32>} : memref<128xi32, #tpu.memory_space<vmem>>, vector<16xi32>,
        %shift_right_logical3A_453 = arith.constant 16 : i32
        %shift_right_logical3A_454 = vector.broadcast %shift_right_logical3A_453 : i32 to vector<16xi32>
        %shift_right_logical3A_455 = arith.shrui %get3A_445, %shift_right_logical3A_454 : vector<16xi32>
        %swap3A_456 = arith.constant 96 : index
        %swap3A_457 = tpu.vector_load %arg9[%swap3A_456] {strides = array<i32>} : memref<128xi32, #tpu.memory_space<vmem>>, vector<16xi32>,
        %swap3A_458 = vector.shape_cast %swap3A_457 : vector<16xi32> to vector<16xi32>
        %swap3A_459 = vector.shape_cast %shift_right_logical3A_455 : vector<16xi32> to vector<16xi32>
        tpu.vector_store %arg9[%swap3A_456], %swap3A_459 {strides = array<i32>} : memref<128xi32, #tpu.memory_space<vmem>>, vector<16xi32>,
        %get3A_460 = arith.index_cast %add3A_319 : i32 to index
        %get3A_461 = arith.constant 112 : index
        %get3A_462 = tpu.vector_load %arg6[%get3A_460, %get3A_461] {strides = array<i32>} : memref<80x128xi32, #tpu.memory_space<vmem>>, vector<1x16xi32>,
        %get3A_463 = vector.shape_cast %get3A_462 : vector<1x16xi32> to vector<16xi32>
        %and3A_464 = arith.constant 65535 : i32
        %and3A_465 = vector.broadcast %and3A_464 : i32 to vector<16xi32>
        %and3A_466 = arith.andi %get3A_463, %and3A_465 : vector<16xi32>
        %swap3A_467 = arith.constant 112 : index
        %swap3A_468 = tpu.vector_load %arg7[%swap3A_467] {strides = array<i32>} : memref<128xi32, #tpu.memory_space<vmem>>, vector<16xi32>,
        %swap3A_469 = vector.shape_cast %swap3A_468 : vector<16xi32> to vector<16xi32>
        %swap3A_470 = vector.shape_cast %and3A_466 : vector<16xi32> to vector<16xi32>
        tpu.vector_store %arg7[%swap3A_467], %swap3A_470 {strides = array<i32>} : memref<128xi32, #tpu.memory_space<vmem>>, vector<16xi32>,
        %shift_right_logical3A_471 = arith.constant 16 : i32
        %shift_right_logical3A_472 = vector.broadcast %shift_right_logical3A_471 : i32 to vector<16xi32>
        %shift_right_logical3A_473 = arith.shrui %get3A_463, %shift_right_logical3A_472 : vector<16xi32>
        %swap3A_474 = arith.constant 112 : index
        %swap3A_475 = tpu.vector_load %arg9[%swap3A_474] {strides = array<i32>} : memref<128xi32, #tpu.memory_space<vmem>>, vector<16xi32>,
        %swap3A_476 = vector.shape_cast %swap3A_475 : vector<16xi32> to vector<16xi32>
        %swap3A_477 = vector.shape_cast %shift_right_logical3A_473 : vector<16xi32> to vector<16xi32>
        tpu.vector_store %arg9[%swap3A_474], %swap3A_477 {strides = array<i32>} : memref<128xi32, #tpu.memory_space<vmem>>, vector<16xi32>,
        %dma_start3A_478 = arith.constant 0 : i32
        %dma_start3A_479 = arith.constant 0 : i32
        %dma_start3A_480 = tpu.memref_slice %arg2[%dma_start3A_478, %dma_start3A_479] : memref<10000x128xf32, #tpu.memory_space<hbm>> -> memref<10000x128xf32, #tpu.memory_space<hbm>>
        tpu.enqueue_indirect_dma source(%dma_start3A_480 : memref<10000x128xf32, #tpu.memory_space<hbm>>) target(%arg11 : memref<128x128xf32, #tpu.memory_space<vmem>>) offsets(%arg7 : memref<128xi32, #tpu.memory_space<vmem>>) semaphore(%arg14 : memref<!tpu.dma_semaphore, #tpu.memory_space<semaphore_mem>>)
      } else {
      }
      %dma_wait3A_322 = arith.constant 0 : i32
      %dma_wait3A_323 = arith.constant 0 : i32
      %dma_wait3A_324 = tpu.memref_slice %arg2[%dma_wait3A_322, %dma_wait3A_323] : memref<10000x128xf32, #tpu.memory_space<hbm>> -> memref<10000x128xf32, #tpu.memory_space<hbm>>
      tpu.wait_indirect_dma semaphore(%arg15 : memref<!tpu.dma_semaphore, #tpu.memory_space<semaphore_mem>>) src(%dma_wait3A_324 : memref<10000x128xf32, #tpu.memory_space<hbm>>) dst(%arg12 : memref<128x128xf32, #tpu.memory_space<vmem>>)
      "tpu.region"() ({
        %run_scoped3A = tpu.sem_alloc : memref<!tpu.dma_semaphore, #tpu.memory_space<semaphore_mem>>
        %dma_start3A_334 = arith.constant 0 : i32
        %dma_start3A_335 = arith.constant 0 : i32
        %dma_start3A_336 = tpu.memref_slice %arg13[%dma_start3A_334, %dma_start3A_335] : memref<10112x128xf32, #tpu.memory_space<vmem_shared>> -> memref<10112x128xf32, #tpu.memory_space<vmem_shared>>
        tpu.enqueue_indirect_dma source(%arg12 : memref<128x128xf32, #tpu.memory_space<vmem>>) target(%dma_start3A_336 : memref<10112x128xf32, #tpu.memory_space<vmem_shared>>) offsets(%arg10 : memref<128xi32, #tpu.memory_space<vmem>>) semaphore(%run_scoped3A : memref<!tpu.dma_semaphore, #tpu.memory_space<semaphore_mem>>) {add = true}
        %dma_wait3A_337 = arith.constant 0 : i32
        %dma_wait3A_338 = arith.constant 0 : i32
        %dma_wait3A_339 = tpu.memref_slice %arg13[%dma_wait3A_337, %dma_wait3A_338] : memref<10112x128xf32, #tpu.memory_space<vmem_shared>> -> memref<10112x128xf32, #tpu.memory_space<vmem_shared>>
        tpu.wait_indirect_dma semaphore(%run_scoped3A : memref<!tpu.dma_semaphore, #tpu.memory_space<semaphore_mem>>) src(%arg12 : memref<128x128xf32, #tpu.memory_space<vmem>>) dst(%dma_wait3A_339 : memref<10112x128xf32, #tpu.memory_space<vmem_shared>>)
        tpu.yield
      }) : () -> ()
      %add3A_325 = arith.constant 1 : i32
      %add3A_326 = arith.addi %mul3A_314, %add3A_325 : i32
      %add3A_327 = arith.constant 2 : i32
      %add3A_328 = arith.addi %add3A_326, %add3A_327 : i32
      %lt3A_329 = arith.constant 80 : i32
      %lt3A_330 = arith.cmpi slt, %add3A_328, %lt3A_329 : i32
      %convert_element_type3A_331 = arith.extui %lt3A_330 : i1 to i32
      %cond3A_332 = arith.constant 0 : i32
      %cond3A_333 = arith.cmpi ne, %convert_element_type3A_331, %cond3A_332 : i32
      scf.if %cond3A_333 {
        %get3A_334 = arith.index_cast %add3A_328 : i32 to index
        %get3A_335 = arith.constant 0 : index
        %get3A_336 = tpu.vector_load %arg6[%get3A_334, %get3A_335] {strides = array<i32>} : memref<80x128xi32, #tpu.memory_space<vmem>>, vector<1x16xi32>,
        %get3A_337 = vector.shape_cast %get3A_336 : vector<1x16xi32> to vector<16xi32>
        %and3A_338 = arith.constant 65535 : i32
        %and3A_339 = vector.broadcast %and3A_338 : i32 to vector<16xi32>
        %and3A_340 = arith.andi %get3A_337, %and3A_339 : vector<16xi32>
        %swap3A_341 = arith.constant 0 : index
        %swap3A_342 = tpu.vector_load %arg8[%swap3A_341] {strides = array<i32>} : memref<128xi32, #tpu.memory_space<vmem>>, vector<16xi32>,
        %swap3A_343 = vector.shape_cast %swap3A_342 : vector<16xi32> to vector<16xi32>
        %swap3A_344 = vector.shape_cast %and3A_340 : vector<16xi32> to vector<16xi32>
        tpu.vector_store %arg8[%swap3A_341], %swap3A_344 {strides = array<i32>} : memref<128xi32, #tpu.memory_space<vmem>>, vector<16xi32>,
        %shift_right_logical3A_345 = arith.constant 16 : i32
        %shift_right_logical3A_346 = vector.broadcast %shift_right_logical3A_345 : i32 to vector<16xi32>
        %shift_right_logical3A_347 = arith.shrui %get3A_337, %shift_right_logical3A_346 : vector<16xi32>
        %swap3A_348 = arith.constant 0 : index
        %swap3A_349 = tpu.vector_load %arg10[%swap3A_348] {strides = array<i32>} : memref<128xi32, #tpu.memory_space<vmem>>, vector<16xi32>,
        %swap3A_350 = vector.shape_cast %swap3A_349 : vector<16xi32> to vector<16xi32>
        %swap3A_351 = vector.shape_cast %shift_right_logical3A_347 : vector<16xi32> to vector<16xi32>
        tpu.vector_store %arg10[%swap3A_348], %swap3A_351 {strides = array<i32>} : memref<128xi32, #tpu.memory_space<vmem>>, vector<16xi32>,
        %get3A_352 = arith.index_cast %add3A_328 : i32 to index
        %get3A_353 = arith.constant 16 : index
        %get3A_354 = tpu.vector_load %arg6[%get3A_352, %get3A_353] {strides = array<i32>} : memref<80x128xi32, #tpu.memory_space<vmem>>, vector<1x16xi32>,
        %get3A_355 = vector.shape_cast %get3A_354 : vector<1x16xi32> to vector<16xi32>
        %and3A_356 = arith.constant 65535 : i32
        %and3A_357 = vector.broadcast %and3A_356 : i32 to vector<16xi32>
        %and3A_358 = arith.andi %get3A_355, %and3A_357 : vector<16xi32>
        %swap3A_359 = arith.constant 16 : index
        %swap3A_360 = tpu.vector_load %arg8[%swap3A_359] {strides = array<i32>} : memref<128xi32, #tpu.memory_space<vmem>>, vector<16xi32>,
        %swap3A_361 = vector.shape_cast %swap3A_360 : vector<16xi32> to vector<16xi32>
        %swap3A_362 = vector.shape_cast %and3A_358 : vector<16xi32> to vector<16xi32>
        tpu.vector_store %arg8[%swap3A_359], %swap3A_362 {strides = array<i32>} : memref<128xi32, #tpu.memory_space<vmem>>, vector<16xi32>,
        %shift_right_logical3A_363 = arith.constant 16 : i32
        %shift_right_logical3A_364 = vector.broadcast %shift_right_logical3A_363 : i32 to vector<16xi32>
        %shift_right_logical3A_365 = arith.shrui %get3A_355, %shift_right_logical3A_364 : vector<16xi32>
        %swap3A_366 = arith.constant 16 : index
        %swap3A_367 = tpu.vector_load %arg10[%swap3A_366] {strides = array<i32>} : memref<128xi32, #tpu.memory_space<vmem>>, vector<16xi32>,
        %swap3A_368 = vector.shape_cast %swap3A_367 : vector<16xi32> to vector<16xi32>
        %swap3A_369 = vector.shape_cast %shift_right_logical3A_365 : vector<16xi32> to vector<16xi32>
        tpu.vector_store %arg10[%swap3A_366], %swap3A_369 {strides = array<i32>} : memref<128xi32, #tpu.memory_space<vmem>>, vector<16xi32>,
        %get3A_370 = arith.index_cast %add3A_328 : i32 to index
        %get3A_371 = arith.constant 32 : index
        %get3A_372 = tpu.vector_load %arg6[%get3A_370, %get3A_371] {strides = array<i32>} : memref<80x128xi32, #tpu.memory_space<vmem>>, vector<1x16xi32>,
        %get3A_373 = vector.shape_cast %get3A_372 : vector<1x16xi32> to vector<16xi32>
        %and3A_374 = arith.constant 65535 : i32
        %and3A_375 = vector.broadcast %and3A_374 : i32 to vector<16xi32>
        %and3A_376 = arith.andi %get3A_373, %and3A_375 : vector<16xi32>
        %swap3A_377 = arith.constant 32 : index
        %swap3A_378 = tpu.vector_load %arg8[%swap3A_377] {strides = array<i32>} : memref<128xi32, #tpu.memory_space<vmem>>, vector<16xi32>,
        %swap3A_379 = vector.shape_cast %swap3A_378 : vector<16xi32> to vector<16xi32>
        %swap3A_380 = vector.shape_cast %and3A_376 : vector<16xi32> to vector<16xi32>
        tpu.vector_store %arg8[%swap3A_377], %swap3A_380 {strides = array<i32>} : memref<128xi32, #tpu.memory_space<vmem>>, vector<16xi32>,
        %shift_right_logical3A_381 = arith.constant 16 : i32
        %shift_right_logical3A_382 = vector.broadcast %shift_right_logical3A_381 : i32 to vector<16xi32>
        %shift_right_logical3A_383 = arith.shrui %get3A_373, %shift_right_logical3A_382 : vector<16xi32>
        %swap3A_384 = arith.constant 32 : index
        %swap3A_385 = tpu.vector_load %arg10[%swap3A_384] {strides = array<i32>} : memref<128xi32, #tpu.memory_space<vmem>>, vector<16xi32>,
        %swap3A_386 = vector.shape_cast %swap3A_385 : vector<16xi32> to vector<16xi32>
        %swap3A_387 = vector.shape_cast %shift_right_logical3A_383 : vector<16xi32> to vector<16xi32>
        tpu.vector_store %arg10[%swap3A_384], %swap3A_387 {strides = array<i32>} : memref<128xi32, #tpu.memory_space<vmem>>, vector<16xi32>,
        %get3A_388 = arith.index_cast %add3A_328 : i32 to index
        %get3A_389 = arith.constant 48 : index
        %get3A_390 = tpu.vector_load %arg6[%get3A_388, %get3A_389] {strides = array<i32>} : memref<80x128xi32, #tpu.memory_space<vmem>>, vector<1x16xi32>,
        %get3A_391 = vector.shape_cast %get3A_390 : vector<1x16xi32> to vector<16xi32>
        %and3A_392 = arith.constant 65535 : i32
        %and3A_393 = vector.broadcast %and3A_392 : i32 to vector<16xi32>
        %and3A_394 = arith.andi %get3A_391, %and3A_393 : vector<16xi32>
        %swap3A_395 = arith.constant 48 : index
        %swap3A_396 = tpu.vector_load %arg8[%swap3A_395] {strides = array<i32>} : memref<128xi32, #tpu.memory_space<vmem>>, vector<16xi32>,
        %swap3A_397 = vector.shape_cast %swap3A_396 : vector<16xi32> to vector<16xi32>
        %swap3A_398 = vector.shape_cast %and3A_394 : vector<16xi32> to vector<16xi32>
        tpu.vector_store %arg8[%swap3A_395], %swap3A_398 {strides = array<i32>} : memref<128xi32, #tpu.memory_space<vmem>>, vector<16xi32>,
        %shift_right_logical3A_399 = arith.constant 16 : i32
        %shift_right_logical3A_400 = vector.broadcast %shift_right_logical3A_399 : i32 to vector<16xi32>
        %shift_right_logical3A_401 = arith.shrui %get3A_391, %shift_right_logical3A_400 : vector<16xi32>
        %swap3A_402 = arith.constant 48 : index
        %swap3A_403 = tpu.vector_load %arg10[%swap3A_402] {strides = array<i32>} : memref<128xi32, #tpu.memory_space<vmem>>, vector<16xi32>,
        %swap3A_404 = vector.shape_cast %swap3A_403 : vector<16xi32> to vector<16xi32>
        %swap3A_405 = vector.shape_cast %shift_right_logical3A_401 : vector<16xi32> to vector<16xi32>
        tpu.vector_store %arg10[%swap3A_402], %swap3A_405 {strides = array<i32>} : memref<128xi32, #tpu.memory_space<vmem>>, vector<16xi32>,
        %get3A_406 = arith.index_cast %add3A_328 : i32 to index
        %get3A_407 = arith.constant 64 : index
        %get3A_408 = tpu.vector_load %arg6[%get3A_406, %get3A_407] {strides = array<i32>} : memref<80x128xi32, #tpu.memory_space<vmem>>, vector<1x16xi32>,
        %get3A_409 = vector.shape_cast %get3A_408 : vector<1x16xi32> to vector<16xi32>
        %and3A_410 = arith.constant 65535 : i32
        %and3A_411 = vector.broadcast %and3A_410 : i32 to vector<16xi32>
        %and3A_412 = arith.andi %get3A_409, %and3A_411 : vector<16xi32>
        %swap3A_413 = arith.constant 64 : index
        %swap3A_414 = tpu.vector_load %arg8[%swap3A_413] {strides = array<i32>} : memref<128xi32, #tpu.memory_space<vmem>>, vector<16xi32>,
        %swap3A_415 = vector.shape_cast %swap3A_414 : vector<16xi32> to vector<16xi32>
        %swap3A_416 = vector.shape_cast %and3A_412 : vector<16xi32> to vector<16xi32>
        tpu.vector_store %arg8[%swap3A_413], %swap3A_416 {strides = array<i32>} : memref<128xi32, #tpu.memory_space<vmem>>, vector<16xi32>,
        %shift_right_logical3A_417 = arith.constant 16 : i32
        %shift_right_logical3A_418 = vector.broadcast %shift_right_logical3A_417 : i32 to vector<16xi32>
        %shift_right_logical3A_419 = arith.shrui %get3A_409, %shift_right_logical3A_418 : vector<16xi32>
        %swap3A_420 = arith.constant 64 : index
        %swap3A_421 = tpu.vector_load %arg10[%swap3A_420] {strides = array<i32>} : memref<128xi32, #tpu.memory_space<vmem>>, vector<16xi32>,
        %swap3A_422 = vector.shape_cast %swap3A_421 : vector<16xi32> to vector<16xi32>
        %swap3A_423 = vector.shape_cast %shift_right_logical3A_419 : vector<16xi32> to vector<16xi32>
        tpu.vector_store %arg10[%swap3A_420], %swap3A_423 {strides = array<i32>} : memref<128xi32, #tpu.memory_space<vmem>>, vector<16xi32>,
        %get3A_424 = arith.index_cast %add3A_328 : i32 to index
        %get3A_425 = arith.constant 80 : index
        %get3A_426 = tpu.vector_load %arg6[%get3A_424, %get3A_425] {strides = array<i32>} : memref<80x128xi32, #tpu.memory_space<vmem>>, vector<1x16xi32>,
        %get3A_427 = vector.shape_cast %get3A_426 : vector<1x16xi32> to vector<16xi32>
        %and3A_428 = arith.constant 65535 : i32
        %and3A_429 = vector.broadcast %and3A_428 : i32 to vector<16xi32>
        %and3A_430 = arith.andi %get3A_427, %and3A_429 : vector<16xi32>
        %swap3A_431 = arith.constant 80 : index
        %swap3A_432 = tpu.vector_load %arg8[%swap3A_431] {strides = array<i32>} : memref<128xi32, #tpu.memory_space<vmem>>, vector<16xi32>,
        %swap3A_433 = vector.shape_cast %swap3A_432 : vector<16xi32> to vector<16xi32>
        %swap3A_434 = vector.shape_cast %and3A_430 : vector<16xi32> to vector<16xi32>
        tpu.vector_store %arg8[%swap3A_431], %swap3A_434 {strides = array<i32>} : memref<128xi32, #tpu.memory_space<vmem>>, vector<16xi32>,
        %shift_right_logical3A_435 = arith.constant 16 : i32
        %shift_right_logical3A_436 = vector.broadcast %shift_right_logical3A_435 : i32 to vector<16xi32>
        %shift_right_logical3A_437 = arith.shrui %get3A_427, %shift_right_logical3A_436 : vector<16xi32>
        %swap3A_438 = arith.constant 80 : index
        %swap3A_439 = tpu.vector_load %arg10[%swap3A_438] {strides = array<i32>} : memref<128xi32, #tpu.memory_space<vmem>>, vector<16xi32>,
        %swap3A_440 = vector.shape_cast %swap3A_439 : vector<16xi32> to vector<16xi32>
        %swap3A_441 = vector.shape_cast %shift_right_logical3A_437 : vector<16xi32> to vector<16xi32>
        tpu.vector_store %arg10[%swap3A_438], %swap3A_441 {strides = array<i32>} : memref<128xi32, #tpu.memory_space<vmem>>, vector<16xi32>,
        %get3A_442 = arith.index_cast %add3A_328 : i32 to index
        %get3A_443 = arith.constant 96 : index
        %get3A_444 = tpu.vector_load %arg6[%get3A_442, %get3A_443] {strides = array<i32>} : memref<80x128xi32, #tpu.memory_space<vmem>>, vector<1x16xi32>,
        %get3A_445 = vector.shape_cast %get3A_444 : vector<1x16xi32> to vector<16xi32>
        %and3A_446 = arith.constant 65535 : i32
        %and3A_447 = vector.broadcast %and3A_446 : i32 to vector<16xi32>
        %and3A_448 = arith.andi %get3A_445, %and3A_447 : vector<16xi32>
        %swap3A_449 = arith.constant 96 : index
        %swap3A_450 = tpu.vector_load %arg8[%swap3A_449] {strides = array<i32>} : memref<128xi32, #tpu.memory_space<vmem>>, vector<16xi32>,
        %swap3A_451 = vector.shape_cast %swap3A_450 : vector<16xi32> to vector<16xi32>
        %swap3A_452 = vector.shape_cast %and3A_448 : vector<16xi32> to vector<16xi32>
        tpu.vector_store %arg8[%swap3A_449], %swap3A_452 {strides = array<i32>} : memref<128xi32, #tpu.memory_space<vmem>>, vector<16xi32>,
        %shift_right_logical3A_453 = arith.constant 16 : i32
        %shift_right_logical3A_454 = vector.broadcast %shift_right_logical3A_453 : i32 to vector<16xi32>
        %shift_right_logical3A_455 = arith.shrui %get3A_445, %shift_right_logical3A_454 : vector<16xi32>
        %swap3A_456 = arith.constant 96 : index
        %swap3A_457 = tpu.vector_load %arg10[%swap3A_456] {strides = array<i32>} : memref<128xi32, #tpu.memory_space<vmem>>, vector<16xi32>,
        %swap3A_458 = vector.shape_cast %swap3A_457 : vector<16xi32> to vector<16xi32>
        %swap3A_459 = vector.shape_cast %shift_right_logical3A_455 : vector<16xi32> to vector<16xi32>
        tpu.vector_store %arg10[%swap3A_456], %swap3A_459 {strides = array<i32>} : memref<128xi32, #tpu.memory_space<vmem>>, vector<16xi32>,
        %get3A_460 = arith.index_cast %add3A_328 : i32 to index
        %get3A_461 = arith.constant 112 : index
        %get3A_462 = tpu.vector_load %arg6[%get3A_460, %get3A_461] {strides = array<i32>} : memref<80x128xi32, #tpu.memory_space<vmem>>, vector<1x16xi32>,
        %get3A_463 = vector.shape_cast %get3A_462 : vector<1x16xi32> to vector<16xi32>
        %and3A_464 = arith.constant 65535 : i32
        %and3A_465 = vector.broadcast %and3A_464 : i32 to vector<16xi32>
        %and3A_466 = arith.andi %get3A_463, %and3A_465 : vector<16xi32>
        %swap3A_467 = arith.constant 112 : index
        %swap3A_468 = tpu.vector_load %arg8[%swap3A_467] {strides = array<i32>} : memref<128xi32, #tpu.memory_space<vmem>>, vector<16xi32>,
        %swap3A_469 = vector.shape_cast %swap3A_468 : vector<16xi32> to vector<16xi32>
        %swap3A_470 = vector.shape_cast %and3A_466 : vector<16xi32> to vector<16xi32>
        tpu.vector_store %arg8[%swap3A_467], %swap3A_470 {strides = array<i32>} : memref<128xi32, #tpu.memory_space<vmem>>, vector<16xi32>,
        %shift_right_logical3A_471 = arith.constant 16 : i32
        %shift_right_logical3A_472 = vector.broadcast %shift_right_logical3A_471 : i32 to vector<16xi32>
        %shift_right_logical3A_473 = arith.shrui %get3A_463, %shift_right_logical3A_472 : vector<16xi32>
        %swap3A_474 = arith.constant 112 : index
        %swap3A_475 = tpu.vector_load %arg10[%swap3A_474] {strides = array<i32>} : memref<128xi32, #tpu.memory_space<vmem>>, vector<16xi32>,
        %swap3A_476 = vector.shape_cast %swap3A_475 : vector<16xi32> to vector<16xi32>
        %swap3A_477 = vector.shape_cast %shift_right_logical3A_473 : vector<16xi32> to vector<16xi32>
        tpu.vector_store %arg10[%swap3A_474], %swap3A_477 {strides = array<i32>} : memref<128xi32, #tpu.memory_space<vmem>>, vector<16xi32>,
        %dma_start3A_478 = arith.constant 0 : i32
        %dma_start3A_479 = arith.constant 0 : i32
        %dma_start3A_480 = tpu.memref_slice %arg2[%dma_start3A_478, %dma_start3A_479] : memref<10000x128xf32, #tpu.memory_space<hbm>> -> memref<10000x128xf32, #tpu.memory_space<hbm>>
        tpu.enqueue_indirect_dma source(%dma_start3A_480 : memref<10000x128xf32, #tpu.memory_space<hbm>>) target(%arg12 : memref<128x128xf32, #tpu.memory_space<vmem>>) offsets(%arg8 : memref<128xi32, #tpu.memory_space<vmem>>) semaphore(%arg15 : memref<!tpu.dma_semaphore, #tpu.memory_space<semaphore_mem>>)
      } else {
      }
    }
    %scan3A_310 = arith.constant 40 : i32
    %barrier3A_311 = arith.constant 0 : index
    tpu.barrier barrier_id(%barrier3A_311)
    "tpu.region"() ({
      %run_scoped3A = tpu.sem_alloc : memref<!tpu.dma_semaphore, #tpu.memory_space<semaphore_mem>>
      %dma_start3A_312 = arith.constant 0 : i32
      %dma_start3A_313 = tpu.memref_slice %arg5[%arg0, %mul3A_0, %dma_start3A_312] : memref<2x10112x128xf32, #tpu.memory_space<hbm>> -> memref<1x632x128xf32, #tpu.memory_space<hbm>>
      %dma_start3A_314 = tpu.memref_squeeze %dma_start3A_313 : memref<1x632x128xf32, #tpu.memory_space<hbm>> -> memref<632x128xf32, #tpu.memory_space<hbm>>
      %dma_start3A_315 = arith.constant 0 : i32
      %dma_start3A_316 = tpu.memref_slice %arg13[%mul3A_0, %dma_start3A_315] : memref<10112x128xf32, #tpu.memory_space<vmem_shared>> -> memref<632x128xf32, #tpu.memory_space<vmem_shared>>
      tpu.enqueue_dma source(%dma_start3A_316 : memref<632x128xf32, #tpu.memory_space<vmem_shared>>) target(%dma_start3A_314 : memref<632x128xf32, #tpu.memory_space<hbm>>) target_semaphore(%run_scoped3A : memref<!tpu.dma_semaphore, #tpu.memory_space<semaphore_mem>>)
      %dma_wait3A = arith.constant 0 : i32
      %dma_wait3A_317 = tpu.memref_slice %arg5[%arg0, %mul3A_0, %dma_wait3A] : memref<2x10112x128xf32, #tpu.memory_space<hbm>> -> memref<1x632x128xf32, #tpu.memory_space<hbm>>
      %dma_wait3A_318 = tpu.memref_squeeze %dma_wait3A_317 : memref<1x632x128xf32, #tpu.memory_space<hbm>> -> memref<632x128xf32, #tpu.memory_space<hbm>>
      %dma_wait3A_319 = arith.constant 0 : i32
      %dma_wait3A_320 = tpu.memref_slice %arg13[%mul3A_0, %dma_wait3A_319] : memref<10112x128xf32, #tpu.memory_space<vmem_shared>> -> memref<632x128xf32, #tpu.memory_space<vmem_shared>>
      tpu.wait_dma2 semaphore(%run_scoped3A : memref<!tpu.dma_semaphore, #tpu.memory_space<semaphore_mem>>) src(%dma_wait3A_320 : memref<632x128xf32, #tpu.memory_space<vmem_shared>>) dst(%dma_wait3A_318 : memref<632x128xf32, #tpu.memory_space<hbm>>)
      tpu.yield
    }) : () -> ()
    return
  }
}

#map = affine_map<(d0, d1) -> (0, 0, 0, 0)>
#map1 = affine_map<(d0, d1) -> (0, 0)>
#map2 = affine_map<(d0, d1) -> (0, 0, 0)>
module attributes {stable_mosaic.version = 14 : i64} {
  func.func @_sc_cnt_body(%arg0: i32, %arg1: i32, %arg2: memref<2x16x80x128xi32, #tpu.memory_space<hbm>>, %arg3: memref<10112x16xf32, #tpu.memory_space<hbm>>, %arg4: memref<2x10112x16xf32, #tpu.memory_space<hbm>>, %arg5: memref<80x128xi32, #tpu.memory_space<vmem>>, %arg6: memref<128xi32, #tpu.memory_space<vmem>>, %arg7: memref<128x16xf32, #tpu.memory_space<vmem>>, %arg8: memref<10112x16xf32, #tpu.memory_space<vmem_shared>>) attributes {dimension_semantics = [#tpu.dimension_semantics<core_parallel>, #tpu.dimension_semantics<subcore_parallel>], iteration_bounds = array<i64: 2, 16>, scalar_prefetch = 0 : i64, scratch_operands = 4 : i64, tpu.core_type = #tpu.core_type<sc_vector_subcore>, window_params = [{transform_indices = #map}, {transform_indices = #map1}, {transform_indices = #map2}]} {
    %mul3A = arith.constant 632 : i32
    %mul3A_0 = arith.muli %arg1, %mul3A : i32
    "tpu.region"() ({
      %run_scoped3A = tpu.sem_alloc : memref<!tpu.dma_semaphore, #tpu.memory_space<semaphore_mem>>
      %dma_start3A = arith.constant 0 : i32
      %dma_start3A_13 = tpu.memref_slice %arg8[%mul3A_0, %dma_start3A] : memref<10112x16xf32, #tpu.memory_space<vmem_shared>> -> memref<632x16xf32, #tpu.memory_space<vmem_shared>>
      %dma_start3A_14 = arith.constant 0 : i32
      %dma_start3A_15 = tpu.memref_slice %arg3[%mul3A_0, %dma_start3A_14] : memref<10112x16xf32, #tpu.memory_space<hbm>> -> memref<632x16xf32, #tpu.memory_space<hbm>>
      tpu.enqueue_dma source(%dma_start3A_15 : memref<632x16xf32, #tpu.memory_space<hbm>>) target(%dma_start3A_13 : memref<632x16xf32, #tpu.memory_space<vmem_shared>>) target_semaphore(%run_scoped3A : memref<!tpu.dma_semaphore, #tpu.memory_space<semaphore_mem>>)
      %dma_wait3A = arith.constant 0 : i32
      %dma_wait3A_16 = tpu.memref_slice %arg8[%mul3A_0, %dma_wait3A] : memref<10112x16xf32, #tpu.memory_space<vmem_shared>> -> memref<632x16xf32, #tpu.memory_space<vmem_shared>>
      %dma_wait3A_17 = arith.constant 0 : i32
      %dma_wait3A_18 = tpu.memref_slice %arg3[%mul3A_0, %dma_wait3A_17] : memref<10112x16xf32, #tpu.memory_space<hbm>> -> memref<632x16xf32, #tpu.memory_space<hbm>>
      tpu.wait_dma2 semaphore(%run_scoped3A : memref<!tpu.dma_semaphore, #tpu.memory_space<semaphore_mem>>) src(%dma_wait3A_18 : memref<632x16xf32, #tpu.memory_space<hbm>>) dst(%dma_wait3A_16 : memref<632x16xf32, #tpu.memory_space<vmem_shared>>)
      tpu.yield
    }) : () -> ()
    %scan3A = arith.constant 0 : i32
    %scan3A_1 = arith.constant 0 : i32
    %scan3A_2 = arith.constant 128 : i32
    %scan3A_3 = arith.addi %scan3A_1, %scan3A_2 : i32
    %scan3A_4 = arith.constant 1 : i32
    scf.for %scan3A_13 = %scan3A_1 to %scan3A_3 step %scan3A_4  : i32 {
      %broadcast_in_dim3A = arith.constant 1.000000e+00 : f32
      %broadcast_in_dim3A_14 = vector.broadcast %broadcast_in_dim3A : f32 to vector<16xf32>
      %swap3A = arith.index_cast %scan3A_13 : i32 to index
      %swap3A_15 = arith.constant 0 : index
      %swap3A_16 = tpu.vector_load %arg7[%swap3A, %swap3A_15] {strides = array<i32>} : memref<128x16xf32, #tpu.memory_space<vmem>>, vector<1x16xf32>,
      %swap3A_17 = vector.shape_cast %swap3A_16 : vector<1x16xf32> to vector<16xf32>
      %swap3A_18 = vector.shape_cast %broadcast_in_dim3A_14 : vector<16xf32> to vector<1x16xf32>
      tpu.vector_store %arg7[%swap3A, %swap3A_15], %swap3A_18 {strides = array<i32>} : memref<128x16xf32, #tpu.memory_space<vmem>>, vector<1x16xf32>,
    }
    %scan3A_5 = arith.constant 128 : i32
    "tpu.region"() ({
      %run_scoped3A = tpu.sem_alloc : memref<!tpu.dma_semaphore, #tpu.memory_space<semaphore_mem>>
      %dma_start3A = arith.constant 0 : i32
      %dma_start3A_13 = arith.constant 0 : i32
      %dma_start3A_14 = tpu.memref_slice %arg2[%arg0, %arg1, %dma_start3A, %dma_start3A_13] : memref<2x16x80x128xi32, #tpu.memory_space<hbm>> -> memref<1x1x80x128xi32, #tpu.memory_space<hbm>>
      %dma_start3A_15 = tpu.memref_squeeze %dma_start3A_14 : memref<1x1x80x128xi32, #tpu.memory_space<hbm>> -> memref<80x128xi32, #tpu.memory_space<hbm>>
      %dma_start3A_16 = arith.constant 0 : i32
      %dma_start3A_17 = arith.constant 0 : i32
      %dma_start3A_18 = tpu.memref_slice %arg2[%arg0, %arg1, %dma_start3A_16, %dma_start3A_17] : memref<2x16x80x128xi32, #tpu.memory_space<hbm>> -> memref<1x1x80x128xi32, #tpu.memory_space<hbm>>
      %dma_start3A_19 = tpu.memref_squeeze %dma_start3A_18 : memref<1x1x80x128xi32, #tpu.memory_space<hbm>> -> memref<80x128xi32, #tpu.memory_space<hbm>>
      tpu.enqueue_dma source(%dma_start3A_19 : memref<80x128xi32, #tpu.memory_space<hbm>>) target(%arg5 : memref<80x128xi32, #tpu.memory_space<vmem>>) target_semaphore(%run_scoped3A : memref<!tpu.dma_semaphore, #tpu.memory_space<semaphore_mem>>)
      %dma_wait3A = arith.constant 0 : i32
      %dma_wait3A_20 = arith.constant 0 : i32
      %dma_wait3A_21 = tpu.memref_slice %arg2[%arg0, %arg1, %dma_wait3A, %dma_wait3A_20] : memref<2x16x80x128xi32, #tpu.memory_space<hbm>> -> memref<1x1x80x128xi32, #tpu.memory_space<hbm>>
      %dma_wait3A_22 = tpu.memref_squeeze %dma_wait3A_21 : memref<1x1x80x128xi32, #tpu.memory_space<hbm>> -> memref<80x128xi32, #tpu.memory_space<hbm>>
      %dma_wait3A_23 = arith.constant 0 : i32
      %dma_wait3A_24 = arith.constant 0 : i32
      %dma_wait3A_25 = tpu.memref_slice %arg2[%arg0, %arg1, %dma_wait3A_23, %dma_wait3A_24] : memref<2x16x80x128xi32, #tpu.memory_space<hbm>> -> memref<1x1x80x128xi32, #tpu.memory_space<hbm>>
      %dma_wait3A_26 = tpu.memref_squeeze %dma_wait3A_25 : memref<1x1x80x128xi32, #tpu.memory_space<hbm>> -> memref<80x128xi32, #tpu.memory_space<hbm>>
      tpu.wait_dma2 semaphore(%run_scoped3A : memref<!tpu.dma_semaphore, #tpu.memory_space<semaphore_mem>>) src(%dma_wait3A_26 : memref<80x128xi32, #tpu.memory_space<hbm>>) dst(%arg5 : memref<80x128xi32, #tpu.memory_space<vmem>>)
      tpu.yield
    }) : () -> ()
    %barrier3A = arith.constant 0 : index
    tpu.barrier barrier_id(%barrier3A)
    %scan3A_6 = arith.constant 0 : i32
    %scan3A_7 = arith.constant 0 : i32
    %scan3A_8 = arith.constant 80 : i32
    %scan3A_9 = arith.addi %scan3A_7, %scan3A_8 : i32
    %scan3A_10 = arith.constant 1 : i32
    scf.for %scan3A_13 = %scan3A_7 to %scan3A_9 step %scan3A_10  : i32 {
      %get3A = arith.index_cast %scan3A_13 : i32 to index
      %get3A_14 = arith.constant 0 : index
      %get3A_15 = tpu.vector_load %arg5[%get3A, %get3A_14] {strides = array<i32>} : memref<80x128xi32, #tpu.memory_space<vmem>>, vector<1x16xi32>,
      %get3A_16 = vector.shape_cast %get3A_15 : vector<1x16xi32> to vector<16xi32>
      %shift_right_logical3A = arith.constant 16 : i32
      %shift_right_logical3A_17 = vector.broadcast %shift_right_logical3A : i32 to vector<16xi32>
      %shift_right_logical3A_18 = arith.shrui %get3A_16, %shift_right_logical3A_17 : vector<16xi32>
      %swap3A = arith.constant 0 : index
      %swap3A_19 = tpu.vector_load %arg6[%swap3A] {strides = array<i32>} : memref<128xi32, #tpu.memory_space<vmem>>, vector<16xi32>,
      %swap3A_20 = vector.shape_cast %swap3A_19 : vector<16xi32> to vector<16xi32>
      %swap3A_21 = vector.shape_cast %shift_right_logical3A_18 : vector<16xi32> to vector<16xi32>
      tpu.vector_store %arg6[%swap3A], %swap3A_21 {strides = array<i32>} : memref<128xi32, #tpu.memory_space<vmem>>, vector<16xi32>,
      %get3A_22 = arith.index_cast %scan3A_13 : i32 to index
      %get3A_23 = arith.constant 16 : index
      %get3A_24 = tpu.vector_load %arg5[%get3A_22, %get3A_23] {strides = array<i32>} : memref<80x128xi32, #tpu.memory_space<vmem>>, vector<1x16xi32>,
      %get3A_25 = vector.shape_cast %get3A_24 : vector<1x16xi32> to vector<16xi32>
      %shift_right_logical3A_26 = arith.constant 16 : i32
      %shift_right_logical3A_27 = vector.broadcast %shift_right_logical3A_26 : i32 to vector<16xi32>
      %shift_right_logical3A_28 = arith.shrui %get3A_25, %shift_right_logical3A_27 : vector<16xi32>
      %swap3A_29 = arith.constant 16 : index
      %swap3A_30 = tpu.vector_load %arg6[%swap3A_29] {strides = array<i32>} : memref<128xi32, #tpu.memory_space<vmem>>, vector<16xi32>,
      %swap3A_31 = vector.shape_cast %swap3A_30 : vector<16xi32> to vector<16xi32>
      %swap3A_32 = vector.shape_cast %shift_right_logical3A_28 : vector<16xi32> to vector<16xi32>
      tpu.vector_store %arg6[%swap3A_29], %swap3A_32 {strides = array<i32>} : memref<128xi32, #tpu.memory_space<vmem>>, vector<16xi32>,
      %get3A_33 = arith.index_cast %scan3A_13 : i32 to index
      %get3A_34 = arith.constant 32 : index
      %get3A_35 = tpu.vector_load %arg5[%get3A_33, %get3A_34] {strides = array<i32>} : memref<80x128xi32, #tpu.memory_space<vmem>>, vector<1x16xi32>,
      %get3A_36 = vector.shape_cast %get3A_35 : vector<1x16xi32> to vector<16xi32>
      %shift_right_logical3A_37 = arith.constant 16 : i32
      %shift_right_logical3A_38 = vector.broadcast %shift_right_logical3A_37 : i32 to vector<16xi32>
      %shift_right_logical3A_39 = arith.shrui %get3A_36, %shift_right_logical3A_38 : vector<16xi32>
      %swap3A_40 = arith.constant 32 : index
      %swap3A_41 = tpu.vector_load %arg6[%swap3A_40] {strides = array<i32>} : memref<128xi32, #tpu.memory_space<vmem>>, vector<16xi32>,
      %swap3A_42 = vector.shape_cast %swap3A_41 : vector<16xi32> to vector<16xi32>
      %swap3A_43 = vector.shape_cast %shift_right_logical3A_39 : vector<16xi32> to vector<16xi32>
      tpu.vector_store %arg6[%swap3A_40], %swap3A_43 {strides = array<i32>} : memref<128xi32, #tpu.memory_space<vmem>>, vector<16xi32>,
      %get3A_44 = arith.index_cast %scan3A_13 : i32 to index
      %get3A_45 = arith.constant 48 : index
      %get3A_46 = tpu.vector_load %arg5[%get3A_44, %get3A_45] {strides = array<i32>} : memref<80x128xi32, #tpu.memory_space<vmem>>, vector<1x16xi32>,
      %get3A_47 = vector.shape_cast %get3A_46 : vector<1x16xi32> to vector<16xi32>
      %shift_right_logical3A_48 = arith.constant 16 : i32
      %shift_right_logical3A_49 = vector.broadcast %shift_right_logical3A_48 : i32 to vector<16xi32>
      %shift_right_logical3A_50 = arith.shrui %get3A_47, %shift_right_logical3A_49 : vector<16xi32>
      %swap3A_51 = arith.constant 48 : index
      %swap3A_52 = tpu.vector_load %arg6[%swap3A_51] {strides = array<i32>} : memref<128xi32, #tpu.memory_space<vmem>>, vector<16xi32>,
      %swap3A_53 = vector.shape_cast %swap3A_52 : vector<16xi32> to vector<16xi32>
      %swap3A_54 = vector.shape_cast %shift_right_logical3A_50 : vector<16xi32> to vector<16xi32>
      tpu.vector_store %arg6[%swap3A_51], %swap3A_54 {strides = array<i32>} : memref<128xi32, #tpu.memory_space<vmem>>, vector<16xi32>,
      %get3A_55 = arith.index_cast %scan3A_13 : i32 to index
      %get3A_56 = arith.constant 64 : index
      %get3A_57 = tpu.vector_load %arg5[%get3A_55, %get3A_56] {strides = array<i32>} : memref<80x128xi32, #tpu.memory_space<vmem>>, vector<1x16xi32>,
      %get3A_58 = vector.shape_cast %get3A_57 : vector<1x16xi32> to vector<16xi32>
      %shift_right_logical3A_59 = arith.constant 16 : i32
      %shift_right_logical3A_60 = vector.broadcast %shift_right_logical3A_59 : i32 to vector<16xi32>
      %shift_right_logical3A_61 = arith.shrui %get3A_58, %shift_right_logical3A_60 : vector<16xi32>
      %swap3A_62 = arith.constant 64 : index
      %swap3A_63 = tpu.vector_load %arg6[%swap3A_62] {strides = array<i32>} : memref<128xi32, #tpu.memory_space<vmem>>, vector<16xi32>,
      %swap3A_64 = vector.shape_cast %swap3A_63 : vector<16xi32> to vector<16xi32>
      %swap3A_65 = vector.shape_cast %shift_right_logical3A_61 : vector<16xi32> to vector<16xi32>
      tpu.vector_store %arg6[%swap3A_62], %swap3A_65 {strides = array<i32>} : memref<128xi32, #tpu.memory_space<vmem>>, vector<16xi32>,
      %get3A_66 = arith.index_cast %scan3A_13 : i32 to index
      %get3A_67 = arith.constant 80 : index
      %get3A_68 = tpu.vector_load %arg5[%get3A_66, %get3A_67] {strides = array<i32>} : memref<80x128xi32, #tpu.memory_space<vmem>>, vector<1x16xi32>,
      %get3A_69 = vector.shape_cast %get3A_68 : vector<1x16xi32> to vector<16xi32>
      %shift_right_logical3A_70 = arith.constant 16 : i32
      %shift_right_logical3A_71 = vector.broadcast %shift_right_logical3A_70 : i32 to vector<16xi32>
      %shift_right_logical3A_72 = arith.shrui %get3A_69, %shift_right_logical3A_71 : vector<16xi32>
      %swap3A_73 = arith.constant 80 : index
      %swap3A_74 = tpu.vector_load %arg6[%swap3A_73] {strides = array<i32>} : memref<128xi32, #tpu.memory_space<vmem>>, vector<16xi32>,
      %swap3A_75 = vector.shape_cast %swap3A_74 : vector<16xi32> to vector<16xi32>
      %swap3A_76 = vector.shape_cast %shift_right_logical3A_72 : vector<16xi32> to vector<16xi32>
      tpu.vector_store %arg6[%swap3A_73], %swap3A_76 {strides = array<i32>} : memref<128xi32, #tpu.memory_space<vmem>>, vector<16xi32>,
      %get3A_77 = arith.index_cast %scan3A_13 : i32 to index
      %get3A_78 = arith.constant 96 : index
      %get3A_79 = tpu.vector_load %arg5[%get3A_77, %get3A_78] {strides = array<i32>} : memref<80x128xi32, #tpu.memory_space<vmem>>, vector<1x16xi32>,
      %get3A_80 = vector.shape_cast %get3A_79 : vector<1x16xi32> to vector<16xi32>
      %shift_right_logical3A_81 = arith.constant 16 : i32
      %shift_right_logical3A_82 = vector.broadcast %shift_right_logical3A_81 : i32 to vector<16xi32>
      %shift_right_logical3A_83 = arith.shrui %get3A_80, %shift_right_logical3A_82 : vector<16xi32>
      %swap3A_84 = arith.constant 96 : index
      %swap3A_85 = tpu.vector_load %arg6[%swap3A_84] {strides = array<i32>} : memref<128xi32, #tpu.memory_space<vmem>>, vector<16xi32>,
      %swap3A_86 = vector.shape_cast %swap3A_85 : vector<16xi32> to vector<16xi32>
      %swap3A_87 = vector.shape_cast %shift_right_logical3A_83 : vector<16xi32> to vector<16xi32>
      tpu.vector_store %arg6[%swap3A_84], %swap3A_87 {strides = array<i32>} : memref<128xi32, #tpu.memory_space<vmem>>, vector<16xi32>,
      %get3A_88 = arith.index_cast %scan3A_13 : i32 to index
      %get3A_89 = arith.constant 112 : index
      %get3A_90 = tpu.vector_load %arg5[%get3A_88, %get3A_89] {strides = array<i32>} : memref<80x128xi32, #tpu.memory_space<vmem>>, vector<1x16xi32>,
      %get3A_91 = vector.shape_cast %get3A_90 : vector<1x16xi32> to vector<16xi32>
      %shift_right_logical3A_92 = arith.constant 16 : i32
      %shift_right_logical3A_93 = vector.broadcast %shift_right_logical3A_92 : i32 to vector<16xi32>
      %shift_right_logical3A_94 = arith.shrui %get3A_91, %shift_right_logical3A_93 : vector<16xi32>
      %swap3A_95 = arith.constant 112 : index
      %swap3A_96 = tpu.vector_load %arg6[%swap3A_95] {strides = array<i32>} : memref<128xi32, #tpu.memory_space<vmem>>, vector<16xi32>,
      %swap3A_97 = vector.shape_cast %swap3A_96 : vector<16xi32> to vector<16xi32>
      %swap3A_98 = vector.shape_cast %shift_right_logical3A_94 : vector<16xi32> to vector<16xi32>
      tpu.vector_store %arg6[%swap3A_95], %swap3A_98 {strides = array<i32>} : memref<128xi32, #tpu.memory_space<vmem>>, vector<16xi32>,
      "tpu.region"() ({
        %run_scoped3A = tpu.sem_alloc : memref<!tpu.dma_semaphore, #tpu.memory_space<semaphore_mem>>
        %dma_start3A = arith.constant 0 : i32
        %dma_start3A_99 = arith.constant 0 : i32
        %dma_start3A_100 = tpu.memref_slice %arg8[%dma_start3A, %dma_start3A_99] : memref<10112x16xf32, #tpu.memory_space<vmem_shared>> -> memref<10112x16xf32, #tpu.memory_space<vmem_shared>>
        tpu.enqueue_indirect_dma source(%arg7 : memref<128x16xf32, #tpu.memory_space<vmem>>) target(%dma_start3A_100 : memref<10112x16xf32, #tpu.memory_space<vmem_shared>>) offsets(%arg6 : memref<128xi32, #tpu.memory_space<vmem>>) semaphore(%run_scoped3A : memref<!tpu.dma_semaphore, #tpu.memory_space<semaphore_mem>>) {add = true}
        %dma_wait3A = arith.constant 0 : i32
        %dma_wait3A_101 = arith.constant 0 : i32
        %dma_wait3A_102 = tpu.memref_slice %arg8[%dma_wait3A, %dma_wait3A_101] : memref<10112x16xf32, #tpu.memory_space<vmem_shared>> -> memref<10112x16xf32, #tpu.memory_space<vmem_shared>>
        tpu.wait_indirect_dma semaphore(%run_scoped3A : memref<!tpu.dma_semaphore, #tpu.memory_space<semaphore_mem>>) src(%arg7 : memref<128x16xf32, #tpu.memory_space<vmem>>) dst(%dma_wait3A_102 : memref<10112x16xf32, #tpu.memory_space<vmem_shared>>)
        tpu.yield
      }) : () -> ()
    }
    %scan3A_11 = arith.constant 80 : i32
    %barrier3A_12 = arith.constant 0 : index
    tpu.barrier barrier_id(%barrier3A_12)
    "tpu.region"() ({
      %run_scoped3A = tpu.sem_alloc : memref<!tpu.dma_semaphore, #tpu.memory_space<semaphore_mem>>
      %dma_start3A = arith.constant 0 : i32
      %dma_start3A_13 = tpu.memref_slice %arg4[%arg0, %mul3A_0, %dma_start3A] : memref<2x10112x16xf32, #tpu.memory_space<hbm>> -> memref<1x632x16xf32, #tpu.memory_space<hbm>>
      %dma_start3A_14 = tpu.memref_squeeze %dma_start3A_13 : memref<1x632x16xf32, #tpu.memory_space<hbm>> -> memref<632x16xf32, #tpu.memory_space<hbm>>
      %dma_start3A_15 = arith.constant 0 : i32
      %dma_start3A_16 = tpu.memref_slice %arg8[%mul3A_0, %dma_start3A_15] : memref<10112x16xf32, #tpu.memory_space<vmem_shared>> -> memref<632x16xf32, #tpu.memory_space<vmem_shared>>
      tpu.enqueue_dma source(%dma_start3A_16 : memref<632x16xf32, #tpu.memory_space<vmem_shared>>) target(%dma_start3A_14 : memref<632x16xf32, #tpu.memory_space<hbm>>) target_semaphore(%run_scoped3A : memref<!tpu.dma_semaphore, #tpu.memory_space<semaphore_mem>>)
      %dma_wait3A = arith.constant 0 : i32
      %dma_wait3A_17 = tpu.memref_slice %arg4[%arg0, %mul3A_0, %dma_wait3A] : memref<2x10112x16xf32, #tpu.memory_space<hbm>> -> memref<1x632x16xf32, #tpu.memory_space<hbm>>
      %dma_wait3A_18 = tpu.memref_squeeze %dma_wait3A_17 : memref<1x632x16xf32, #tpu.memory_space<hbm>> -> memref<632x16xf32, #tpu.memory_space<hbm>>
      %dma_wait3A_19 = arith.constant 0 : i32
      %dma_wait3A_20 = tpu.memref_slice %arg8[%mul3A_0, %dma_wait3A_19] : memref<10112x16xf32, #tpu.memory_space<vmem_shared>> -> memref<632x16xf32, #tpu.memory_space<vmem_shared>>
      tpu.wait_dma2 semaphore(%run_scoped3A : memref<!tpu.dma_semaphore, #tpu.memory_space<semaphore_mem>>) src(%dma_wait3A_20 : memref<632x16xf32, #tpu.memory_space<vmem_shared>>) dst(%dma_wait3A_18 : memref<632x16xf32, #tpu.memory_space<hbm>>)
      tpu.yield
    }) : () -> ()
    return
  }
}

module attributes {stable_mosaic.version = 14 : i64} {
  func.func @_tc_body(%arg0: memref<2x10112x128xf32, #tpu.memory_space<vmem>>, %arg1: memref<2x10112x16xf32, #tpu.memory_space<vmem>>, %arg2: memref<10000x128xf32, #tpu.memory_space<vmem>>, %arg3: memref<128x128xf32, #tpu.memory_space<vmem>>, %arg4: memref<1x128xf32, #tpu.memory_space<vmem>>, %arg5: memref<128x128xf32, #tpu.memory_space<vmem>>, %arg6: memref<1x128xf32, #tpu.memory_space<vmem>>, %arg7: memref<1x128xf32, #tpu.memory_space<vmem>>, %arg8: memref<10000x128xf32, #tpu.memory_space<vmem>>) attributes {dimension_semantics = [], scalar_prefetch = 0 : i64, scratch_operands = 0 : i64, tpu.core_type = #tpu.core_type<tc>} {
    %get3A = arith.constant 0 : index
    %get3A_0 = arith.constant 0 : index
    %get3A_1 = arith.constant 0 : index
    %get3A_2 = vector.load %arg0[%get3A, %get3A_0, %get3A_1] : memref<2x10112x128xf32, #tpu.memory_space<vmem>>, vector<1x10000x128xf32>
    %get3A_3 = vector.shape_cast %get3A_2 : vector<1x10000x128xf32> to vector<10000x128xf32>
    %get3A_4 = arith.constant 1 : index
    %get3A_5 = arith.constant 0 : index
    %get3A_6 = arith.constant 0 : index
    %get3A_7 = vector.load %arg0[%get3A_4, %get3A_5, %get3A_6] : memref<2x10112x128xf32, #tpu.memory_space<vmem>>, vector<1x10000x128xf32>
    %get3A_8 = vector.shape_cast %get3A_7 : vector<1x10000x128xf32> to vector<10000x128xf32>
    %add3A = arith.addf %get3A_3, %get3A_8 : vector<10000x128xf32>
    %get3A_9 = arith.constant 0 : index
    %get3A_10 = arith.constant 0 : index
    %get3A_11 = arith.constant 0 : index
    %get3A_12 = vector.load %arg1[%get3A_9, %get3A_10, %get3A_11] : memref<2x10112x16xf32, #tpu.memory_space<vmem>>, vector<1x10000x1xf32>
    %get3A_13 = vector.shape_cast %get3A_12 : vector<1x10000x1xf32> to vector<10000x1xf32>
    %get3A_14 = arith.constant 1 : index
    %get3A_15 = arith.constant 0 : index
    %get3A_16 = arith.constant 0 : index
    %get3A_17 = vector.load %arg1[%get3A_14, %get3A_15, %get3A_16] : memref<2x10112x16xf32, #tpu.memory_space<vmem>>, vector<1x10000x1xf32>
    %get3A_18 = vector.shape_cast %get3A_17 : vector<1x10000x1xf32> to vector<10000x1xf32>
    %add3A_19 = arith.addf %get3A_13, %get3A_18 : vector<10000x1xf32>
    %max3A = arith.constant 1.000000e+00 : f32
    %max3A_20 = vector.broadcast %max3A : f32 to vector<10000x1xf32>
    %max3A_21 = arith.maximumf %add3A_19, %max3A_20 : vector<10000x1xf32>
    %div3A = vector.broadcast %max3A_21 : vector<10000x1xf32> to vector<10000x128xf32>
    %div3A_22 = arith.divf %add3A, %div3A : vector<10000x128xf32>
    %get3A_23 = arith.constant 0 : index
    %get3A_24 = arith.constant 0 : index
    %get3A_25 = vector.load %arg2[%get3A_23, %get3A_24] : memref<10000x128xf32, #tpu.memory_space<vmem>>, vector<10000x128xf32>
    %get3A_26 = arith.constant 0 : index
    %get3A_27 = arith.constant 0 : index
    %get3A_28 = vector.load %arg3[%get3A_26, %get3A_27] : memref<128x128xf32, #tpu.memory_space<vmem>>, vector<128x128xf32>
    %dot_general3A = arith.constant dense<0.000000e+00> : vector<10000x128xf32>
    %dot_general3A_29 = tpu.matmul %div3A_22, %get3A_28, %dot_general3A {dimension_numbers = #tpu.dot_dimension_numbers<[1], [1], [0], [0], [0, 0, 1, 0], [], []>, transpose_lhs_hint = false} : vector<10000x128xf32>, vector<128x128xf32>, vector<10000x128xf32> -> vector<10000x128xf32>
    %get3A_30 = arith.constant 0 : index
    %get3A_31 = arith.constant 0 : index
    %get3A_32 = vector.load %arg5[%get3A_30, %get3A_31] : memref<128x128xf32, #tpu.memory_space<vmem>>, vector<128x128xf32>
    %dot_general3A_33 = arith.constant dense<0.000000e+00> : vector<10000x128xf32>
    %dot_general3A_34 = tpu.matmul %get3A_25, %get3A_32, %dot_general3A_33 {dimension_numbers = #tpu.dot_dimension_numbers<[1], [1], [0], [0], [0, 0, 1, 0], [], []>, transpose_lhs_hint = false} : vector<10000x128xf32>, vector<128x128xf32>, vector<10000x128xf32> -> vector<10000x128xf32>
    %add3A_35 = arith.addf %dot_general3A_29, %dot_general3A_34 : vector<10000x128xf32>
    %get3A_36 = arith.constant 0 : index
    %get3A_37 = arith.constant 0 : index
    %get3A_38 = vector.load %arg4[%get3A_36, %get3A_37] : memref<1x128xf32, #tpu.memory_space<vmem>>, vector<1x128xf32>
    %add3A_39 = vector.broadcast %get3A_38 : vector<1x128xf32> to vector<10000x128xf32>
    %add3A_40 = arith.addf %add3A_35, %add3A_39 : vector<10000x128xf32>
    %reduce_sum3A = arith.constant dense<0.000000e+00> : vector<128xf32>
    %reduce_sum3A_41 = vector.multi_reduction <add>, %add3A_40, %reduce_sum3A [0] : vector<10000x128xf32> to vector<128xf32>
    %broadcast_in_dim3A = vector.shape_cast %reduce_sum3A_41 : vector<128xf32> to vector<1x128xf32>
    %div3A_42 = arith.constant 1.000000e+04 : f32
    %div3A_43 = vector.broadcast %div3A_42 : f32 to vector<1x128xf32>
    %div3A_44 = arith.divf %broadcast_in_dim3A, %div3A_43 : vector<1x128xf32>
    %mul3A = arith.mulf %add3A_40, %add3A_40 : vector<10000x128xf32>
    %reduce_sum3A_45 = arith.constant dense<0.000000e+00> : vector<128xf32>
    %reduce_sum3A_46 = vector.multi_reduction <add>, %mul3A, %reduce_sum3A_45 [0] : vector<10000x128xf32> to vector<128xf32>
    %broadcast_in_dim3A_47 = vector.shape_cast %reduce_sum3A_46 : vector<128xf32> to vector<1x128xf32>
    %div3A_48 = arith.constant 1.000000e+04 : f32
    %div3A_49 = vector.broadcast %div3A_48 : f32 to vector<1x128xf32>
    %div3A_50 = arith.divf %broadcast_in_dim3A_47, %div3A_49 : vector<1x128xf32>
    %mul3A_51 = arith.mulf %div3A_44, %div3A_44 : vector<1x128xf32>
    %sub3A = arith.subf %div3A_50, %mul3A_51 : vector<1x128xf32>
    %get3A_52 = arith.constant 0 : index
    %get3A_53 = arith.constant 0 : index
    %get3A_54 = vector.load %arg6[%get3A_52, %get3A_53] : memref<1x128xf32, #tpu.memory_space<vmem>>, vector<1x128xf32>
    %sub3A_55 = vector.broadcast %div3A_44 : vector<1x128xf32> to vector<10000x128xf32>
    %sub3A_56 = arith.subf %add3A_40, %sub3A_55 : vector<10000x128xf32>
    %mul3A_57 = vector.broadcast %get3A_54 : vector<1x128xf32> to vector<10000x128xf32>
    %mul3A_58 = arith.mulf %mul3A_57, %sub3A_56 : vector<10000x128xf32>
    %add3A_59 = arith.constant 9.99999974E-6 : f32
    %add3A_60 = vector.broadcast %add3A_59 : f32 to vector<1x128xf32>
    %add3A_61 = arith.addf %sub3A, %add3A_60 : vector<1x128xf32>
    %rsqrt3A = math.rsqrt %add3A_61 : vector<1x128xf32>
    %mul3A_62 = vector.broadcast %rsqrt3A : vector<1x128xf32> to vector<10000x128xf32>
    %mul3A_63 = arith.mulf %mul3A_58, %mul3A_62 : vector<10000x128xf32>
    %get3A_64 = arith.constant 0 : index
    %get3A_65 = arith.constant 0 : index
    %get3A_66 = vector.load %arg7[%get3A_64, %get3A_65] : memref<1x128xf32, #tpu.memory_space<vmem>>, vector<1x128xf32>
    %add3A_67 = vector.broadcast %get3A_66 : vector<1x128xf32> to vector<10000x128xf32>
    %add3A_68 = arith.addf %mul3A_63, %add3A_67 : vector<10000x128xf32>
    %max3A_69 = arith.constant 0.000000e+00 : f32
    %max3A_70 = vector.broadcast %max3A_69 : f32 to vector<10000x128xf32>
    %max3A_71 = arith.maximumf %add3A_68, %max3A_70 : vector<10000x128xf32>
    %swap3A = arith.constant 0 : index
    %swap3A_72 = arith.constant 0 : index
    %swap3A_73 = vector.load %arg8[%swap3A, %swap3A_72] : memref<10000x128xf32, #tpu.memory_space<vmem>>, vector<10000x128xf32>
    tpu.vector_store %arg8[%swap3A, %swap3A_72], %max3A_71 {strides = array<i32>} : memref<10000x128xf32, #tpu.memory_space<vmem>>, vector<10000x128xf32>,
    return
  }
}

</mosaic_0001>

<sc_bundles>
// kernel: kernel.5.cloned.1.call-start
scs
__scs_entry_jumppad:
0x0: {  	(pc) =	sbr.rel $0x88, $3  }
0x1: {  	(tag) =	ssettag $0x0;
	lr =	simm.s32 $0x1  }
0x2: {  	[smem:$0x3F9A] =	sst lr;
	_ =	strace $0xD0000000  }
0x3: {  	_ = 	snop  }
0x4: {  	_ = 	snop  }
0x5: {  	_ = 	snop  }
0x6: {  	_ = 	snop  }
0x7: {  	_ = 	snop  }
__scs_overlays_trampoline_lowered:
0x8: {  	[smem:$0x3FA9] =	sst s0  }
0x9: {  	[smem:$0x3FAA] =	sst s1  }
0xa: {  	[smem:$0x3FAB] =	sst s2  }
0xb: {  	[smem:$0x3FAC] =	sst s3  }
0xc: {  	[smem:$0x3FAD] =	sst s4  }
0xd: {  	[smem:$0x3FAE] =	sst s5  }
0xe: {  	[smem:$0x3FAF] =	sst s6  }
0xf: {  	[smem:$0x3FB0] =	sst s7  }
0x10: {  	[smem:$0x3FB1] =	sst s8  }
0x11: {  	[smem:$0x3FB2] =	sst s9;
	s0 =	simm.s32 @!p0 $0x0  }
0x12: {  	s1 =	sld [smem:$0x3F98];
	s0 =	simm.s32 @p0 $0x1  }
0x13: {  	[smem:$0x3FB3] =	sst s0;
	s0 =	simm.s32 @!p1 $0x0  }
0x14: {  	s2 =	sld [smem:$0x3F97];
	s0 =	simm.s32 @p1 $0x1  }
0x15: {  	[smem:$0x3FB4] =	sst s0;
	s0 =	simm.s32 @!p2 $0x0  }
0x16: {  	s3 =	sld [smem:$0x3FDB];
	s0 =	simm.s32 @p2 $0x1  }
0x17: {  	s4 =	simm.s32 $0x1BF5;
	[smem:$0x3FB6] =	sst s0  }
0x18: {  	s0 =	sld [smem:$0x3F99];
	_ =	swait.ge [sflag:s4], $0x0  }
0x19: {  	s7 =	sld [smem:$0x3F9A]  }
0x1a: {  	s8 =	sadd.s32 $0xFFFFE003, lr  }
0x1b: {  	s9 =	sadd.s32 $0xFFFFFEF7, lr;
	s5 =	simm.s32 $0xFFFFFFFF;
	p2 =	slt.u32 s8, $0xFFFFF086  }
0x1c: {  	p1 =	slt.u32 s9, $0xF7A;
	s5 =	simm.s32 @!p2 $0x0  }
0x1d: {  	s5 =	simm.s32 @p1 $0x1;
	p0 =	seq.s32 s7, s2  }
0x1e: {  	s7 =	smul.u32 @!p0 $0xF7A, s2;
	p2 =	seq.s32 @!p0 s5, $0x0  }
0x1f: {  	s9 =	smul.u32 $0xF7A, s1;
	s8 =	simm.s32 @!p0 $0x1BF5;
	p2 =	por !p2, p0  }
0x20: {  	[sflag:s8] =	ssyncset.s32 @!p0 $0xFFFFF086;
	s6 =	sadd.s32 @!p0 s3, s7;
	s7 =	simm.s32 @!p0 $0x108  }
0x21: {  	s3 =	sadd.s32 s3, s9;
	s6 =	sadd.s32 @!p0 $0x88, s6;
	s7 =	simm.s32 @p2 $0x1082  }
0x22: {  	[simem:s7], [sflag:s8] =	dma.local @!p0 [hbm:s6], $0xF7A  }
0x23: {  	s9 =	sor.u32 $0xD0000000, s2;
	s6 =	simm.s32 $0x108;
	_ =	swait.ge @!p0 [sflag:s8], $0x0  }
0x24: {  	s3 =	sadd.s32 $0x88, s3;
	s6 =	simm.s32 @!p1 $0x1082;
	[sflag:s4] =	ssyncset.s32 $0xFFFFF086  }
0x25: {  	[simem:s6], [sflag:s4] =	dma.local [hbm:s3], $0xF7A  }
0x26: {  	[smem:$0x3F9A] =	sst s1;
	(tag) =	ssettag s2;
	_ =	strace s9  }
0x27: {  	s1 =	sld [smem:$0x3FAA]  }
0x28: {  	s2 =	sld [smem:$0x3FAB]  }
0x29: {  	s4 =	sld [smem:$0x3FAD]  }
0x2a: {  	p0 =	seq.s32 s5, $0x0;
	s5 =	sld [smem:$0x3FAE]  }
0x2b: {  	s6 =	sld [smem:$0x3FAF]  }
0x2c: {  	s7 =	sld [smem:$0x3FB0]  }
0x2d: {  	s3 =	simm.s32 $0x108;
	s8 =	sld [smem:$0x3FB1]  }
0x2e: {  	s3 =	simm.s32 @!p0 $0x1082;
	s9 =	sld [smem:$0x3FB2]  }
0x2f: {  	lr =	sadd.s32 s0, s3;
	s0 =	sld [smem:$0x3FA9]  }
0x30: {  	s3 =	sld [smem:$0x3FAC]  }
0x31: {  	[smem:$0x3FB5] =	sst s10  }
0x32: {  	s10 =	sld [smem:$0x3FB3];
	_ =	sdelay $0x3  }
0x33: {  	p0 =	seq.s32 s10, $0x1;
	s10 =	sld [smem:$0x3FB5];
	_ =	sdelay $0x3  }
0x34: {  	[smem:$0x3FB5] =	sst s10  }
0x35: {  	s10 =	sld [smem:$0x3FB4];
	_ =	sdelay $0x3  }
0x36: {  	p1 =	seq.s32 s10, $0x1;
	s10 =	sld [smem:$0x3FB5];
	_ =	sdelay $0x3  }
0x37: {  	[smem:$0x3FB5] =	sst s10  }
0x38: {  	s10 =	sld [smem:$0x3FB6]  }
0x39: {  	_ = 	snop;
	(pc) =	sbr.ind lr, $3  }
0x3a: {  	_ = 	snop  }
0x3b: {  	_ = 	snop  }
0x3c: {  	p2 =	seq.s32 s10, $0x1;
	s10 =	sld [smem:$0x3FB5]  }
0x3d: {  	_ =	shalt  }
0x3e: {  	_ =	shalt  }
0x3f: {  	_ =	shalt  }
0x40: {  	_ =	shalt  }
0x41: {  	_ =	shalt  }
0x42: {  	_ =	shalt  }
0x43: {  	_ =	shalt  }
0x44: {  	_ =	shalt  }
0x45: {  	_ =	shalt  }
0x46: {  	_ =	shalt  }
0x47: {  	_ =	shalt  }
0x48: {  	_ =	shalt  }
0x49: {  	_ =	shalt  }
0x4a: {  	_ =	shalt  }
0x4b: {  	_ =	shalt  }
0x4c: {  	_ =	shalt  }
0x4d: {  	_ =	shalt  }
0x4e: {  	_ =	shalt  }
0x4f: {  	_ =	shalt  }
0x50: {  	_ =	shalt  }
0x51: {  	_ =	shalt  }
0x52: {  	_ =	shalt  }
0x53: {  	_ =	shalt  }
0x54: {  	_ =	shalt  }
0x55: {  	_ =	shalt  }
0x56: {  	_ =	shalt  }
0x57: {  	_ =	shalt  }
0x58: {  	_ =	shalt  }
0x59: {  	_ =	shalt  }
0x5a: {  	_ =	shalt  }
0x5b: {  	_ =	shalt  }
0x5c: {  	_ =	shalt  }
0x5d: {  	_ =	shalt  }
0x5e: {  	_ =	shalt  }
0x5f: {  	_ =	shalt  }
0x60: {  	_ =	shalt  }
0x61: {  	_ =	shalt  }
0x62: {  	_ =	shalt  }
0x63: {  	_ =	shalt  }
0x64: {  	_ =	shalt  }
0x65: {  	_ =	shalt  }
0x66: {  	_ =	shalt  }
0x67: {  	_ =	shalt  }
0x68: {  	_ =	shalt  }
0x69: {  	_ =	shalt  }
0x6a: {  	_ =	shalt  }
0x6b: {  	_ =	shalt  }
0x6c: {  	_ =	shalt  }
0x6d: {  	_ =	shalt  }
0x6e: {  	_ =	shalt  }
0x6f: {  	_ =	shalt  }
0x70: {  	_ =	shalt  }
0x71: {  	_ =	shalt  }
0x72: {  	_ =	shalt  }
0x73: {  	_ =	shalt  }
0x74: {  	_ =	shalt  }
0x75: {  	_ =	shalt  }
0x76: {  	_ =	shalt  }
0x77: {  	_ =	shalt  }
0x78: {  	_ =	shalt  }
0x79: {  	_ =	shalt  }
0x7a: {  	_ =	shalt  }
0x7b: {  	_ =	shalt  }
0x7c: {  	_ =	shalt  }
0x7d: {  	_ =	shalt  }
0x7e: {  	_ =	shalt  }
0x7f: {  	_ =	shalt  }
0x80: {  	_ =	shalt  }
0x81: {  	_ =	shalt  }
0x82: {  	_ =	shalt  }
0x83: {  	_ =	shalt  }
0x84: {  	_ =	shalt  }
0x85: {  	_ =	shalt  }
0x86: {  	_ =	shalt  }
0x87: {  	_ =	shalt  }
.Lfunc_end0:
.L_simem_size_0:
called_computation_lowered:
.L_overlay_start_0:
0x88: {  	s2 =	sld [smem:$0x3FD9]  }
0x89: {  	s3 =	sld [smem:$0x3FFE];
	_ =	sdelay $0x1  }
0x8a: {  	s1 =	srdreg.scid  }
0x8b: {  	s0 =	sand.u32 $0x1, s1  }
0x8c: {  	s17 =	sshll.u32 s0, $0xA;
	s2 =	sadd.s32 s3, s2  }
0x8d: {  	s2 =	sadd.s32 s2, s17  }
0x8e: {  	[smem:$0x3FC1] =	sst s2  }
0x8f: {  	_ = 	snop  }
0x90: {  	s18 =	sld [smem:$0x3FC9]  }
0x91: {  	s4 =	sld [smem:$0x3FD0];
	(tm) =	ssettm $0x1  }
0x92: {  	s19 =	sld [smem:$0x3FFB];
	_ =	sdelay $0x3  }
0x93: {  	_ =	strace s19  }
0x94: {  	s2 =	sld [smem:$0x3FFC];
	_ =	sdelay $0x3  }
0x95: {  	_ =	strace s2  }
0x96: {  	s2 =	sld [smem:$0x3FFD];
	_ =	sdelay $0x3  }
0x97: {  	_ =	strace s2  }
0x98: {  	_ =	strace $0x8FFFFFFF  }
0x99: {  	s20 =	sld [smem:$0x3FDB];
	_ =	sdelay $0x1  }
0x9a: {  	s5 =	simm.s32 $_scs_section_size  }
0x9b: {  	s6 =	simm.s32 $_size__tile_overlayer_lowered;
	s7 =	simm.s32 $_tile_overlayer_lowered  }
0x9c: {  	s8 =	simm.s32 $0x1BFF;
	s21 =	sshll.u32 s7, $0x1;
	s5 =	sadd.s32 s5, s20  }
0x9d: {  	s22 =	simm.s32 $0x0;
	s6 =	sshll.u32 s6, $0x1;
	s7 =	sadd.s32 s21, s5  }
0x9e: {  	[timem:s22], [sflag:s8] =	dma.local [hbm:s7], s6  }
0x9f: {  	_ =	swait.ge [sflag:s8], s6  }
0xa0: {  	s6 =	ssub.s32 $0x0, s6;
	[sflag:s8] =	ssyncset.done $0x0  }
0xa1: {  	[sflag:s8] =	ssyncadd.s32 s6;
	_ =	sdelay $0x1  }
0xa2: {  	s23 =	simm.s32 $0x1B8B  }
0xa3: {  	_ =	swait.ge [sflag:s23], $0x1  }
0xa4: {  	[sflag:s23] =	ssyncset.done $0x0  }
0xa5: {  	[sflag:s23] =	ssyncadd.s32 $0xFFFFFFFF  }
0xa6: {  	s6 =	sld [smem:$0x0]  }
0xa7: {  	s7 =	sand.u32 $0xFFFFFFFE, s1  }
0xa8: {  	p0 =	sne.s32 s1, s7  }
0xa9: {  	s7 =	sshll.u32 @p0 s7, $0xE  }
0xaa: {  	s7 =	sadd.s32 @p0 $0x11B8D, s7;
	s8 =	sshll.u32 @p0 s6, $0x11  }
0xab: {  	s7 =	sor.u32 @p0 s8, s7  }
0xac: {  	[sflag:s7] =	ssyncadd.remote.s32 @p0 $0x1;
	_ =	sdelay $0x1  }
0xad: {  	s7 =	simm.s32 @p0 $0x1B8D  }
0xae: {  	_ =	swait.eq @p0 [sflag:s7], $0x1  }
0xaf: {  	[sflag:s7] =	ssyncadd.s32 @p0 $0xFFFFFFFF  }
0xb0: {  	s8 =	sshll.u32 @!p0 s1, $0xE  }
0xb1: {  	s8 =	sor.u32 @!p0 $0x4000, s8;
	s7 =	simm.s32 @!p0 $0x1B8D  }
0xb2: {  	s6 =	sshll.u32 @!p0 s6, $0x11;
	s8 =	sadd.s32 @!p0 $0x11B8D, s8;
	_ =	swait.eq @!p0 [sflag:s7], $0x1  }
0xb3: {  	s6 =	sor.u32 @!p0 s6, s8;
	[sflag:s7] =	ssyncadd.s32 @!p0 $0xFFFFFFFF  }
0xb4: {  	s25 =	simm.s32 $0x1B8E;
	s24 =	sld [smem:$0x3FFE];
	[sflag:s6] =	ssyncadd.remote.s32 @!p0 $0x1  }
0xb5: {  	s26 =	simm.s32 $execute0_lowered;
	[smem:$0x3FD2] =	sst s25  }
0xb6: {  	s7 =	sshll.u32 s26, $0x1;
	_ =	strace $0x80000049;
	[dreg:$0x1] =	wrdreg $0xFFFFFFFF  }
0xb7: {  	s28 =	simm.s32 $_size_execute0_lowered;
	s5 =	sadd.s32 s5, s7;
	[dreg:$0x0] =	wrdreg $0x0  }
0xb8: {  	s7 =	sshll.u32 s28, $0x1;
	[dreg:$0x2] =	wrdreg s5  }
0xb9: {  	[dreg:$0x3] =	wrdreg s7  }
0xba: {  	[dreg:$0x4] =	wrdreg $0xC0  }
0xbb: {  	_ =	task [dreg:s22], $0x5FFFF  }
0xbc: {  	[dreg:$0x1] =	wrdreg $0xFFFFFFFF  }
0xbd: {  	[dreg:$0x0] =	wrdreg $0x60  }
0xbe: {  	[dreg:$0x2] =	wrdreg s18  }
0xbf: {  	[dreg:$0x3] =	wrdreg s4  }
0xc0: {  	[dreg:$0x4] =	wrdreg s24  }
0xc1: {  	[dreg:$0x5] =	wrdreg $0xAA000  }
0xc2: {  	[dreg:$0x6] =	wrdreg $0x9  }
0xc3: {  	_ =	task.clear_ibuf [dreg:s22], $0x7FFFF;
	_ =	strace $0x90000049  }
0xc4: {  	s29 =	simm.s32 $0x9;
	_ =	strace $0x8000004B  }
0xc5: {  	_ =	swait.ge [sflag:s29], $0x1  }
0xc6: {  	[sflag:s29] =	ssyncadd.s32 $0xFFFFFFFF  }
0xc7: {  	_ =	strace $0x9000004B  }
0xc8: {  	_ =	sfence  }
0xc9: {  	s30 =	sld [smem:$0x0];
	_ =	sdelay $0x2  }
0xca: {  	s31 =	sshll.u32 s1, $0xD;
	s1 =	sshrl.u32 s1, $0x2  }
0xcb: {  	s4 =	sand.u32 $0x4000, s31;
	s1 =	sadd.s32 s1, s30  }
0xcc: {  	s0 =	sor.u32 s4, s0;
	s1 =	sshll.u32 s1, $0x11  }
0xcd: {  	s0 =	sor.u32 s1, s0  }
0xce: {  	s0 =	sadd.s32 $0x8F2B, s0  }
0xcf: {  	[sflag:s0] =	ssyncadd.remote.s32 $0x1  }
0xd0: {  	_ =	sfence.sel $0xFFFF  }
0xd1: {  	[dreg:$0x0] =	wrdreg $0xFFFFFFFF;
	(pc) =	sbr.abs _section_cstart, $3  }
0xd2: {  	[dreg:$0x1] =	wrdreg $0xFFFFFFFF  }
0xd3: {  	_ =	task.clear_ibuf [dreg:s22], $0x2FFFF;
	_ =	strace $0x9FFFFFFF  }
0xd4: {  	(tm) =	ssettm $0x7FFFFFFF  }
0xd5: {  	_ =	shalt  }
tec
execute0_lowered:
.L_overlay_start_1:
0x0: {  	(tag) =	ssettag $0x1  }
0x1: {  	s1 =	rddreg [dreg:$0x0]  }
0x2: {  	s7 =	rddreg [dreg:$0x1]  }
0x3: {  	s5 =	rddreg [dreg:$0x2]  }
0x4: {  	s3 =	rddreg [dreg:$0x3];
	s0 =	stileid.u32  }
0x5: {  	s8 =	srdreg.scid;
	s2 =	rddreg [dreg:$0x4]  }
0x6: {  	s4 =	simm.s32 $0x0;
	s15 =	simm.s32 $0x2880;
	s16 =	simm.s32 $0x6A00  }
0x7: {  	s17 =	simm.s32 $0x1;
	s18 =	simm.s32 $0x2900;
	s6 =	smul.u32 $0x13C00, s0  }
0x8: {  	s19 =	simm.s32 $0x2;
	s20 =	simm.s32 $0x2980;
	s11 =	smul.u32 $0x4F000, s0  }
0x9: {  	s21 =	simm.s32 $0x0;
	s8 =	sand.u32 $0x1, s8;
	s13 =	smul.u32 $0x2800, s0  }
0xa: {  	[smem:$0x7FF] =	sst s4;
	s31 =	sshll.u32 s0, $0x6;
	s10 =	smul.u32 $0x13C000, s8  }
0xb: {  	_ =	strace $0x8000004A;
	s29 =	ssub.s32 $0x2, s8;
	s8 =	smul.u32 $0x28000, s8  }
0xc: {  	s9 =	sshrl.u32 s6, $0x3;
	s12 =	sshrl.u32 s29, $0x1;
	s30 =	sshrl.u32 s11, $0x2  }
0xd: {  	s9 =	sadd.s32 s9, s5;
	s6 =	sadd.s32 s6, s10;
	s10 =	ssub.s32 s29, s12  }
0xe: {  	s11 =	sadd.s32 s30, s3;
	s8 =	sadd.s32 s13, s8;
	s12 =	simm.s32 $0x80  }
0xf: {  	s13 =	simm.s32 $0x2800;
	s6 =	sshrl.u32 s6, $0x3;
	s8 =	sshrl.u32 s8, $0x3  }
0x10: {  	s14 =	sadd.s32 s6, s5;
	s5 =	sadd.s32 $0x77C00, s9;
	s6 =	sor.u32 $0x1C03, s31  }
0x11: {  	s7 =	sadd.s32 s7, s8;
	s9 =	smax.u32 s10, $0x1;
	s10 =	sshrl.u32 s11, $0x3  }
0x12: {  	s11 =	simm.s32 $0x3;
	s8 =	sadd.s32 $0x9F400, s14;
	s14 =	simm.s32 $0x2A00  }
.LBB2_1:
0x13: {  	[spmem:s10], [sflag:s6] =	dma.local [hbm:s5], $0x2780  }
0x14: {  	_ =	swait.ge [sflag:s11], $0x2780  }
0x15: {  	[sflag:s11] =	ssyncset.done $0x0  }
0x16: {  	[sflag:s11] =	ssyncadd.s32 $0xFFFFD880  }
0x17: {  	[tilespmem:s4], [sflag:$0x3] =	stream.linear.gather [hbm4b:s7+s4], $0x2800, $0x38;
	[tilespmem:$0x1E600] =	vst v63  }
0x18: {  	_ =	swait.ge [sflag:s11], $0x2800  }
0x19: {  	[sflag:s11] =	ssyncset.done $0x0  }
0x1a: {  	[sflag:s11] =	ssyncadd.s32 $0xFFFFD800  }
0x1b: {  	[bflag:$0x0] =	sbarrier.arrive $0xFFFF  }
0x1c: {  	v0 =	vld [tilespmem:$0x0];
	_ =	sdelay $0x1  }
0x1d: {  	v1 =	vld [tilespmem:$0x10];
	_ =	sdelay $0x1  }
0x1e: {  	v2 =	vld [tilespmem:$0x20]  }
0x1f: {  	v3 =	vand.u32 $0xFFFF, v0  }
0x20: {  	v0 =	vshrl.u32 v0, $0x10;
	[tilespmem:$0x2800] =	vst v3;
	v3 =	vld [tilespmem:$0x30]  }
0x21: {  	[tilespmem:$0x2900] =	vst v0;
	v0 =	vand.u32 $0xFFFF, v1  }
0x22: {  	[tilespmem:$0x2810] =	vst v0;
	v0 =	vshrl.u32 v1, $0x10;
	v1 =	vld [tilespmem:$0x40]  }
0x23: {  	[tilespmem:$0x2910] =	vst v0;
	v0 =	vand.u32 $0xFFFF, v2  }
0x24: {  	[tilespmem:$0x2820] =	vst v0;
	v0 =	vshrl.u32 v2, $0x10;
	v2 =	vld [tilespmem:$0x50]  }
0x25: {  	[tilespmem:$0x2920] =	vst v0;
	v0 =	vand.u32 $0xFFFF, v3  }
0x26: {  	[tilespmem:$0x2830] =	vst v0;
	v0 =	vshrl.u32 v3, $0x10;
	v3 =	vld [tilespmem:$0x60]  }
0x27: {  	[tilespmem:$0x2930] =	vst v0;
	v0 =	vand.u32 $0xFFFF, v1  }
0x28: {  	[tilespmem:$0x2840] =	vst v0;
	v0 =	vshrl.u32 v1, $0x10;
	v1 =	vld [tilespmem:$0x70]  }
0x29: {  	[tilespmem:$0x2940] =	vst v0;
	v0 =	vand.u32 $0xFFFF, v2  }
0x2a: {  	[tilespmem:$0x2850] =	vst v0;
	v0 =	vshrl.u32 v2, $0x10  }
0x2b: {  	[tilespmem:$0x2950] =	vst v0;
	v0 =	vand.u32 $0xFFFF, v3  }
0x2c: {  	[tilespmem:$0x2860] =	vst v0;
	v0 =	vshrl.u32 v3, $0x10  }
0x2d: {  	[tilespmem:$0x2960] =	vst v0;
	v0 =	vand.u32 $0xFFFF, v1  }
0x2e: {  	[tilespmem:$0x2870] =	vst v0;
	v0 =	vshrl.u32 v1, $0x10  }
0x2f: {  	[tilespmem:$0x2970] =	vst v0  }
0x30: {  	[tilespmem:s14], [sflag:$0x1] =	stream.indirect.gather [hbm4b:s1+s12], $0x80, s13, s12, $0xb8;
	[tilespmem:$0x1E600] =	vst v63  }
0x31: {  	v0 =	vld [tilespmem:$0x80];
	_ =	sdelay $0x1  }
0x32: {  	v1 =	vld [tilespmem:$0x90];
	_ =	sdelay $0x1  }
0x33: {  	v2 =	vld [tilespmem:$0xA0]  }
0x34: {  	v3 =	vand.u32 $0xFFFF, v0  }
0x35: {  	v0 =	vshrl.u32 v0, $0x10;
	[tilespmem:$0x2880] =	vst v3;
	v3 =	vld [tilespmem:$0xB0]  }
0x36: {  	[tilespmem:$0x2980] =	vst v0;
	v0 =	vand.u32 $0xFFFF, v1  }
0x37: {  	[tilespmem:$0x2890] =	vst v0;
	v0 =	vshrl.u32 v1, $0x10;
	v1 =	vld [tilespmem:$0xC0]  }
0x38: {  	[tilespmem:$0x2990] =	vst v0;
	v0 =	vand.u32 $0xFFFF, v2  }
0x39: {  	[tilespmem:$0x28A0] =	vst v0;
	v0 =	vshrl.u32 v2, $0x10;
	v2 =	vld [tilespmem:$0xD0]  }
0x3a: {  	[tilespmem:$0x29A0] =	vst v0;
	v0 =	vand.u32 $0xFFFF, v3  }
0x3b: {  	[tilespmem:$0x28B0] =	vst v0;
	v0 =	vshrl.u32 v3, $0x10;
	v3 =	vld [tilespmem:$0xE0]  }
0x3c: {  	[tilespmem:$0x29B0] =	vst v0;
	v0 =	vand.u32 $0xFFFF, v1  }
0x3d: {  	[tilespmem:$0x28C0] =	vst v0;
	v0 =	vshrl.u32 v1, $0x10;
	v1 =	vld [tilespmem:$0xF0]  }
0x3e: {  	[tilespmem:$0x29C0] =	vst v0;
	v0 =	vand.u32 $0xFFFF, v2  }
0x3f: {  	[tilespmem:$0x28D0] =	vst v0;
	v0 =	vshrl.u32 v2, $0x10  }
0x40: {  	[tilespmem:$0x29D0] =	vst v0;
	v0 =	vand.u32 $0xFFFF, v3  }
0x41: {  	[tilespmem:$0x28E0] =	vst v0;
	v0 =	vshrl.u32 v3, $0x10  }
0x42: {  	[tilespmem:$0x29E0] =	vst v0;
	v0 =	vand.u32 $0xFFFF, v1  }
0x43: {  	[tilespmem:$0x28F0] =	vst v0;
	v0 =	vshrl.u32 v1, $0x10  }
0x44: {  	[tilespmem:$0x29F0] =	vst v0  }
0x45: {  	[tilespmem:s16], [sflag:$0x2] =	stream.indirect.gather [hbm4b:s1+s12], $0x80, s15, s12, $0xb8;
	[tilespmem:$0x1E600] =	vst v63  }
0x46: {  	_ =	swait.ge [sflag:s17], $0x4000  }
0x47: {  	[sflag:s17] =	ssyncset.done $0x0  }
0x48: {  	[sflag:s17] =	ssyncadd.s32 $0xFFFFC000  }
0x49: {  	[spmem:s3] =	stream.indirect.scatter.add.f32 [tilespmem:s14], [sflag:$0x3], $0x80, s18, s12, $0xb8;
	[tilespmem:$0x1E600] =	vst v63  }
0x4a: {  	_ =	swait.ge [sflag:s11], $0x4000  }
0x4b: {  	[sflag:s11] =	ssyncset.done $0x0  }
0x4c: {  	s22 =	simm.s32 $0x1F0;
	[sflag:s11] =	ssyncadd.s32 $0xFFFFC000  }
0x4d: {  	v0 =	vld [tilespmem:s22+$0xFFFFFF10];
	_ =	sdelay $0x4  }
0x4e: {  	v1 =	vand.u32 $0xFFFF, v0  }
0x4f: {  	v0 =	vshrl.u32 v0, $0x10;
	[tilespmem:$0x2800] =	vst v1  }
0x50: {  	[tilespmem:$0x2900] =	vst v0  }
0x51: {  	v0 =	vld [tilespmem:s22+$0xFFFFFF20];
	_ =	sdelay $0x4  }
0x52: {  	v1 =	vand.u32 $0xFFFF, v0  }
0x53: {  	v0 =	vshrl.u32 v0, $0x10;
	[tilespmem:$0x2810] =	vst v1  }
0x54: {  	[tilespmem:$0x2910] =	vst v0  }
0x55: {  	v0 =	vld [tilespmem:s22+$0xFFFFFF30];
	_ =	sdelay $0x4  }
0x56: {  	v1 =	vand.u32 $0xFFFF, v0  }
0x57: {  	v0 =	vshrl.u32 v0, $0x10;
	[tilespmem:$0x2820] =	vst v1  }
0x58: {  	[tilespmem:$0x2920] =	vst v0  }
0x59: {  	v0 =	vld [tilespmem:s22+$0xFFFFFF40];
	_ =	sdelay $0x4  }
0x5a: {  	v1 =	vand.u32 $0xFFFF, v0  }
0x5b: {  	v0 =	vshrl.u32 v0, $0x10;
	[tilespmem:$0x2830] =	vst v1  }
0x5c: {  	[tilespmem:$0x2930] =	vst v0  }
0x5d: {  	v0 =	vld [tilespmem:s22+$0xFFFFFF50];
	_ =	sdelay $0x4  }
0x5e: {  	v1 =	vand.u32 $0xFFFF, v0  }
0x5f: {  	v0 =	vshrl.u32 v0, $0x10;
	[tilespmem:$0x2840] =	vst v1  }
0x60: {  	[tilespmem:$0x2940] =	vst v0  }
0x61: {  	v0 =	vld [tilespmem:s22+$0xFFFFFF60];
	_ =	sdelay $0x4  }
0x62: {  	v1 =	vand.u32 $0xFFFF, v0  }
0x63: {  	v0 =	vshrl.u32 v0, $0x10;
	[tilespmem:$0x2850] =	vst v1  }
0x64: {  	[tilespmem:$0x2950] =	vst v0  }
0x65: {  	v0 =	vld [tilespmem:s22+$0xFFFFFF70];
	_ =	sdelay $0x4  }
0x66: {  	v1 =	vand.u32 $0xFFFF, v0  }
0x67: {  	v0 =	vshrl.u32 v0, $0x10;
	[tilespmem:$0x2860] =	vst v1  }
0x68: {  	[tilespmem:$0x2960] =	vst v0  }
0x69: {  	v0 =	vld [tilespmem:s22+$0xFFFFFF80];
	_ =	sdelay $0x4  }
0x6a: {  	v1 =	vand.u32 $0xFFFF, v0  }
0x6b: {  	v0 =	vshrl.u32 v0, $0x10;
	[tilespmem:$0x2870] =	vst v1  }
0x6c: {  	[tilespmem:$0x2970] =	vst v0  }
0x6d: {  	[tilespmem:s14], [sflag:$0x1] =	stream.indirect.gather [hbm4b:s1+s12], $0x80, s13, s12, $0xb8;
	[tilespmem:$0x1E600] =	vst v63  }
0x6e: {  	_ =	swait.ge [sflag:s19], $0x4000  }
0x6f: {  	[sflag:s19] =	ssyncset.done $0x0  }
0x70: {  	[sflag:s19] =	ssyncadd.s32 $0xFFFFC000  }
0x71: {  	[spmem:s3] =	stream.indirect.scatter.add.f32 [tilespmem:s16], [sflag:$0x3], $0x80, s20, s12, $0xb8;
	[tilespmem:$0x1E600] =	vst v63  }
0x72: {  	_ =	swait.ge [sflag:s11], $0x4000  }
0x73: {  	[sflag:s11] =	ssyncset.done $0x0  }
0x74: {  	[sflag:s11] =	ssyncadd.s32 $0xFFFFC000  }
0x75: {  	v0 =	vld [tilespmem:s22+$0xFFFFFF90];
	_ =	sdelay $0x4  }
0x76: {  	v1 =	vand.u32 $0xFFFF, v0  }
0x77: {  	v0 =	vshrl.u32 v0, $0x10;
	[tilespmem:$0x2880] =	vst v1  }
0x78: {  	[tilespmem:$0x2980] =	vst v0  }
0x79: {  	v0 =	vld [tilespmem:s22+$0xFFFFFFA0];
	_ =	sdelay $0x4  }
0x7a: {  	v1 =	vand.u32 $0xFFFF, v0  }
0x7b: {  	v0 =	vshrl.u32 v0, $0x10;
	[tilespmem:$0x2890] =	vst v1  }
0x7c: {  	[tilespmem:$0x2990] =	vst v0  }
0x7d: {  	v0 =	vld [tilespmem:s22+$0xFFFFFFB0];
	_ =	sdelay $0x4  }
0x7e: {  	v1 =	vand.u32 $0xFFFF, v0  }
0x7f: {  	v0 =	vshrl.u32 v0, $0x10;
	[tilespmem:$0x28A0] =	vst v1  }
0x80: {  	[tilespmem:$0x29A0] =	vst v0  }
0x81: {  	v0 =	vld [tilespmem:s22+$0xFFFFFFC0];
	_ =	sdelay $0x4  }
0x82: {  	v1 =	vand.u32 $0xFFFF, v0  }
0x83: {  	v0 =	vshrl.u32 v0, $0x10;
	[tilespmem:$0x28B0] =	vst v1  }
0x84: {  	[tilespmem:$0x29B0] =	vst v0  }
0x85: {  	v0 =	vld [tilespmem:s22+$0xFFFFFFD0];
	_ =	sdelay $0x4  }
0x86: {  	v1 =	vand.u32 $0xFFFF, v0  }
0x87: {  	v0 =	vshrl.u32 v0, $0x10;
	[tilespmem:$0x28C0] =	vst v1  }
0x88: {  	[tilespmem:$0x29C0] =	vst v0  }
0x89: {  	v0 =	vld [tilespmem:s22+$0xFFFFFFE0];
	_ =	sdelay $0x4  }
0x8a: {  	v1 =	vand.u32 $0xFFFF, v0  }
0x8b: {  	v0 =	vshrl.u32 v0, $0x10;
	[tilespmem:$0x28D0] =	vst v1  }
0x8c: {  	[tilespmem:$0x29D0] =	vst v0  }
0x8d: {  	v0 =	vld [tilespmem:s22+$0xFFFFFFF0];
	_ =	sdelay $0x4  }
0x8e: {  	v1 =	vand.u32 $0xFFFF, v0  }
0x8f: {  	s23 =	simm.s32 $0xBC0;
	v0 =	vshrl.u32 v0, $0x10;
	[tilespmem:$0x28E0] =	vst v1  }
.LBB2_2:
0x90: {  	p0 =	sne.s32 s23, $0x9FC0;
	[tilespmem:$0x29E0] =	vst v0;
	s24 =	smov.u32 s23;
	s23 =	sadd.s32 $0x400, s23  }
0x91: {  	v0 =	vld [tilespmem:s22+$0x0];
	_ =	sdelay $0x4  }
0x92: {  	v1 =	vand.u32 $0xFFFF, v0;
	v0 =	vshrl.u32 v0, $0x10  }
0x93: {  	[tilespmem:$0x28F0] =	vst v1  }
0x94: {  	[tilespmem:$0x29F0] =	vst v0  }
0x95: {  	[tilespmem:s16], [sflag:$0x2] =	stream.indirect.gather [hbm4b:s1+s12], $0x80, s15, s12, $0xb8;
	[tilespmem:$0x1E600] =	vst v63  }
0x96: {  	_ =	swait.ge [sflag:s17], $0x4000  }
0x97: {  	[sflag:s17] =	ssyncset.done $0x0  }
0x98: {  	[sflag:s17] =	ssyncadd.s32 $0xFFFFC000  }
0x99: {  	[spmem:s3] =	stream.indirect.scatter.add.f32 [tilespmem:s14], [sflag:$0x3], $0x80, s18, s12, $0xb8;
	[tilespmem:$0x1E600] =	vst v63  }
0x9a: {  	_ =	swait.ge [sflag:s11], $0x4000  }
0x9b: {  	[sflag:s11] =	ssyncset.done $0x0  }
0x9c: {  	s22 =	sshra.s32 s24, $0x2;
	[sflag:s11] =	ssyncadd.s32 $0xFFFFC000  }
0x9d: {  	v0 =	vld [tilespmem:s22+$0xFFFFFF10];
	_ =	sdelay $0x4  }
0x9e: {  	v1 =	vand.u32 $0xFFFF, v0;
	v0 =	vshrl.u32 v0, $0x10  }
0x9f: {  	[tilespmem:$0x2800] =	vst v1  }
0xa0: {  	[tilespmem:$0x2900] =	vst v0  }
0xa1: {  	v0 =	vld [tilespmem:s22+$0xFFFFFF20];
	_ =	sdelay $0x4  }
0xa2: {  	v1 =	vand.u32 $0xFFFF, v0;
	v0 =	vshrl.u32 v0, $0x10  }
0xa3: {  	[tilespmem:$0x2810] =	vst v1  }
0xa4: {  	[tilespmem:$0x2910] =	vst v0  }
0xa5: {  	v0 =	vld [tilespmem:s22+$0xFFFFFF30];
	_ =	sdelay $0x4  }
0xa6: {  	v1 =	vand.u32 $0xFFFF, v0;
	v0 =	vshrl.u32 v0, $0x10  }
0xa7: {  	[tilespmem:$0x2820] =	vst v1  }
0xa8: {  	[tilespmem:$0x2920] =	vst v0  }
0xa9: {  	v0 =	vld [tilespmem:s22+$0xFFFFFF40];
	_ =	sdelay $0x4  }
0xaa: {  	v1 =	vand.u32 $0xFFFF, v0;
	v0 =	vshrl.u32 v0, $0x10  }
0xab: {  	[tilespmem:$0x2830] =	vst v1  }
0xac: {  	[tilespmem:$0x2930] =	vst v0  }
0xad: {  	v0 =	vld [tilespmem:s22+$0xFFFFFF50];
	_ =	sdelay $0x4  }
0xae: {  	v1 =	vand.u32 $0xFFFF, v0;
	v0 =	vshrl.u32 v0, $0x10  }
0xaf: {  	[tilespmem:$0x2840] =	vst v1  }
0xb0: {  	[tilespmem:$0x2940] =	vst v0  }
0xb1: {  	v0 =	vld [tilespmem:s22+$0xFFFFFF60];
	_ =	sdelay $0x4  }
0xb2: {  	v1 =	vand.u32 $0xFFFF, v0;
	v0 =	vshrl.u32 v0, $0x10  }
0xb3: {  	[tilespmem:$0x2850] =	vst v1  }
0xb4: {  	[tilespmem:$0x2950] =	vst v0  }
0xb5: {  	v0 =	vld [tilespmem:s22+$0xFFFFFF70];
	_ =	sdelay $0x4  }
0xb6: {  	v1 =	vand.u32 $0xFFFF, v0;
	v0 =	vshrl.u32 v0, $0x10  }
0xb7: {  	[tilespmem:$0x2860] =	vst v1  }
0xb8: {  	[tilespmem:$0x2960] =	vst v0  }
0xb9: {  	v0 =	vld [tilespmem:s22+$0xFFFFFF80];
	_ =	sdelay $0x4  }
0xba: {  	v1 =	vand.u32 $0xFFFF, v0;
	v0 =	vshrl.u32 v0, $0x10  }
0xbb: {  	[tilespmem:$0x2870] =	vst v1  }
0xbc: {  	[tilespmem:$0x2970] =	vst v0  }
0xbd: {  	[tilespmem:s14], [sflag:$0x1] =	stream.indirect.gather [hbm4b:s1+s12], $0x80, s13, s12, $0xb8;
	[tilespmem:$0x1E600] =	vst v63  }
0xbe: {  	_ =	swait.ge [sflag:s19], $0x4000  }
0xbf: {  	[sflag:s19] =	ssyncset.done $0x0  }
0xc0: {  	[sflag:s19] =	ssyncadd.s32 $0xFFFFC000  }
0xc1: {  	[spmem:s3] =	stream.indirect.scatter.add.f32 [tilespmem:s16], [sflag:$0x3], $0x80, s20, s12, $0xb8;
	[tilespmem:$0x1E600] =	vst v63  }
0xc2: {  	_ =	swait.ge [sflag:s11], $0x4000  }
0xc3: {  	[sflag:s11] =	ssyncset.done $0x0  }
0xc4: {  	[sflag:s11] =	ssyncadd.s32 $0xFFFFC000  }
0xc5: {  	v0 =	vld [tilespmem:s22+$0xFFFFFF90];
	_ =	sdelay $0x4  }
0xc6: {  	v1 =	vand.u32 $0xFFFF, v0;
	v0 =	vshrl.u32 v0, $0x10  }
0xc7: {  	[tilespmem:$0x2880] =	vst v1  }
0xc8: {  	[tilespmem:$0x2980] =	vst v0  }
0xc9: {  	v0 =	vld [tilespmem:s22+$0xFFFFFFA0];
	_ =	sdelay $0x4  }
0xca: {  	v1 =	vand.u32 $0xFFFF, v0;
	v0 =	vshrl.u32 v0, $0x10  }
0xcb: {  	[tilespmem:$0x2890] =	vst v1  }
0xcc: {  	[tilespmem:$0x2990] =	vst v0  }
0xcd: {  	v0 =	vld [tilespmem:s22+$0xFFFFFFB0];
	_ =	sdelay $0x4  }
0xce: {  	v1 =	vand.u32 $0xFFFF, v0;
	v0 =	vshrl.u32 v0, $0x10  }
0xcf: {  	[tilespmem:$0x28A0] =	vst v1  }
0xd0: {  	[tilespmem:$0x29A0] =	vst v0  }
0xd1: {  	v0 =	vld [tilespmem:s22+$0xFFFFFFC0];
	_ =	sdelay $0x4  }
0xd2: {  	v1 =	vand.u32 $0xFFFF, v0;
	v0 =	vshrl.u32 v0, $0x10  }
0xd3: {  	[tilespmem:$0x28B0] =	vst v1  }
0xd4: {  	[tilespmem:$0x29B0] =	vst v0  }
0xd5: {  	v0 =	vld [tilespmem:s22+$0xFFFFFFD0];
	_ =	sdelay $0x4  }
0xd6: {  	v1 =	vand.u32 $0xFFFF, v0;
	v0 =	vshrl.u32 v0, $0x10  }
0xd7: {  	[tilespmem:$0x28C0] =	vst v1  }
0xd8: {  	[tilespmem:$0x29C0] =	vst v0  }
0xd9: {  	v0 =	vld [tilespmem:s22+$0xFFFFFFE0];
	_ =	sdelay $0x4  }
0xda: {  	v1 =	vand.u32 $0xFFFF, v0;
	v0 =	vshrl.u32 v0, $0x10  }
0xdb: {  	[tilespmem:$0x28D0] =	vst v1  }
0xdc: {  	[tilespmem:$0x29D0] =	vst v0  }
0xdd: {  	v0 =	vld [tilespmem:s22+$0xFFFFFFF0];
	_ =	sdelay $0x1  }
.Ltmp0:
0xde: {  	(pc) =	sbr.rel @p0 .LBB2_2-.Ltmp0, $3  }
0xdf: {  	_ =	sdelay $0x1  }
0xe0: {  	v1 =	vand.u32 $0xFFFF, v0;
	v0 =	vshrl.u32 v0, $0x10  }
0xe1: {  	[tilespmem:$0x28E0] =	vst v1  }
0xe2: {  	[tilespmem:$0x29E0] =	vst v0  }
0xe3: {  	v0 =	vld [tilespmem:s22+$0x0];
	_ =	sdelay $0x4  }
0xe4: {  	v1 =	vand.u32 $0xFFFF, v0  }
0xe5: {  	v0 =	vshrl.u32 v0, $0x10;
	[tilespmem:$0x28F0] =	vst v1  }
0xe6: {  	[tilespmem:$0x29F0] =	vst v0  }
0xe7: {  	[tilespmem:s16], [sflag:$0x2] =	stream.indirect.gather [hbm4b:s1+s12], $0x80, s15, s12, $0xb8;
	[tilespmem:$0x1E600] =	vst v63  }
0xe8: {  	_ =	swait.ge [sflag:s17], $0x4000  }
0xe9: {  	[sflag:s17] =	ssyncset.done $0x0  }
0xea: {  	[sflag:s17] =	ssyncadd.s32 $0xFFFFC000  }
0xeb: {  	[spmem:s3] =	stream.indirect.scatter.add.f32 [tilespmem:s14], [sflag:$0x3], $0x80, s18, s12, $0xb8;
	[tilespmem:$0x1E600] =	vst v63  }
0xec: {  	_ =	swait.ge [sflag:s11], $0x4000  }
0xed: {  	[sflag:s11] =	ssyncset.done $0x0  }
0xee: {  	[sflag:s11] =	ssyncadd.s32 $0xFFFFC000  }
0xef: {  	_ =	swait.ge [sflag:s19], $0x4000  }
0xf0: {  	[sflag:s19] =	ssyncset.done $0x0  }
0xf1: {  	[sflag:s19] =	ssyncadd.s32 $0xFFFFC000  }
0xf2: {  	[spmem:s3] =	stream.indirect.scatter.add.f32 [tilespmem:s16], [sflag:$0x3], $0x80, s20, s12, $0xb8;
	[tilespmem:$0x1E600] =	vst v63  }
0xf3: {  	_ =	swait.ge [sflag:s11], $0x4000  }
0xf4: {  	s21 =	sadd.s32 $0x1, s21;
	[sflag:s11] =	ssyncset.done $0x0  }
0xf5: {  	p0 =	sne.s32 s21, s9;
	[sflag:s11] =	ssyncadd.s32 $0xFFFFC000  }
.Ltmp1:
0xf6: {  	[bflag:$0x0] =	sbarrier.arrive $0xFFFF;
	(pc) =	sbr.rel @p0 .LBB2_1-.Ltmp1, $4  }
0xf7: {  	[hbm:s8], [sflag:s6] =	dma.local [spmem:s10], $0x2780  }
0xf8: {  	_ =	swait.ge [sflag:s11], $0x2780  }
0xf9: {  	[sflag:s11] =	ssyncset.done $0x0  }
0xfa: {  	[sflag:s11] =	ssyncadd.s32 $0xFFFFD880  }
0xfb: {  	_ =	sfence.sel $0x180000  }
0xfc: {  	[bflag:$0x0] =	sbarrier.arrive $0xFFFF  }
0xfd: {  	p0 =	sne.s32 s0, $0x0;
	_ =	strace $0x9000004A  }
0xfe: {  	s0 =	sadd.s32 @!p0 $0x100000, s2;
	[bflag:$0x2] =	sbarrier.arrive $0xFFFF  }
0xff: {  	[sflag:s0] =	ssyncadd.tile.s32 @!p0 $0x1;
	_ =	shalt  }
.Lfunc_end2:
_tile_overlayer_lowered:
.L_overlay_start_2:
0x100: {  	(tag) =	ssettag $0x2  }
0x101: {  	s0 =	rddreg [dreg:$0x0];
	s2 =	stileid.u32  }
0x102: {  	s1 =	rddreg [dreg:$0x1];
	p0 =	sne.s32 s2, $0x0  }
0x103: {  	s3 =	rddreg [dreg:$0x2];
	[bflag:$0x3] =	sbarrier.arrive $0xFFFF;
	s2 =	simm.s32 @!p0 $0x1C03  }
0x104: {  	[timem:s3], [sflag:s2] =	dma.local @!p0 [hbm:s0], s1  }
0x105: {  	s0 =	simm.s32 @!p0 $0x3  }
0x106: {  	_ =	swait.ge @!p0 [sflag:s0], s1  }
0x107: {  	s1 =	ssub.s32 @!p0 $0x0, s1;
	[sflag:s0] =	ssyncset.done @!p0 $0x0  }
0x108: {  	[sflag:s0] =	ssyncadd.s32 @!p0 s1  }
0x109: {  	[bflag:$0x3] =	sbarrier.arrive $0xFFFF  }
0x10a: {  	_ =	shalt  }

// kernel: kernel.8.cloned.1.call-start
scs
__scs_entry_jumppad:
0x0: {  	(pc) =	sbr.rel $0x88, $3  }
0x1: {  	(tag) =	ssettag $0x0;
	lr =	simm.s32 $0x1  }
0x2: {  	[smem:$0x3F9A] =	sst lr;
	_ =	strace $0xD0000000  }
0x3: {  	_ = 	snop  }
0x4: {  	_ = 	snop  }
0x5: {  	_ = 	snop  }
0x6: {  	_ = 	snop  }
0x7: {  	_ = 	snop  }
__scs_overlays_trampoline_lowered:
0x8: {  	[smem:$0x3FA9] =	sst s0  }
0x9: {  	[smem:$0x3FAA] =	sst s1  }
0xa: {  	[smem:$0x3FAB] =	sst s2  }
0xb: {  	[smem:$0x3FAC] =	sst s3  }
0xc: {  	[smem:$0x3FAD] =	sst s4  }
0xd: {  	[smem:$0x3FAE] =	sst s5  }
0xe: {  	[smem:$0x3FAF] =	sst s6  }
0xf: {  	[smem:$0x3FB0] =	sst s7  }
0x10: {  	[smem:$0x3FB1] =	sst s8  }
0x11: {  	[smem:$0x3FB2] =	sst s9;
	s0 =	simm.s32 @!p0 $0x0  }
0x12: {  	s1 =	sld [smem:$0x3F98];
	s0 =	simm.s32 @p0 $0x1  }
0x13: {  	[smem:$0x3FB3] =	sst s0;
	s0 =	simm.s32 @!p1 $0x0  }
0x14: {  	s2 =	sld [smem:$0x3F97];
	s0 =	simm.s32 @p1 $0x1  }
0x15: {  	[smem:$0x3FB4] =	sst s0;
	s0 =	simm.s32 @!p2 $0x0  }
0x16: {  	s3 =	sld [smem:$0x3FDB];
	s0 =	simm.s32 @p2 $0x1  }
0x17: {  	s4 =	simm.s32 $0x1BF5;
	[smem:$0x3FB6] =	sst s0  }
0x18: {  	s0 =	sld [smem:$0x3F99];
	_ =	swait.ge [sflag:s4], $0x0  }
0x19: {  	s7 =	sld [smem:$0x3F9A]  }
0x1a: {  	s8 =	sadd.s32 $0xFFFFE003, lr  }
0x1b: {  	s9 =	sadd.s32 $0xFFFFFEF7, lr;
	s5 =	simm.s32 $0xFFFFFFFF;
	p2 =	slt.u32 s8, $0xFFFFF086  }
0x1c: {  	p1 =	slt.u32 s9, $0xF7A;
	s5 =	simm.s32 @!p2 $0x0  }
0x1d: {  	s5 =	simm.s32 @p1 $0x1;
	p0 =	seq.s32 s7, s2  }
0x1e: {  	s7 =	smul.u32 @!p0 $0xF7A, s2;
	p2 =	seq.s32 @!p0 s5, $0x0  }
0x1f: {  	s9 =	smul.u32 $0xF7A, s1;
	s8 =	simm.s32 @!p0 $0x1BF5;
	p2 =	por !p2, p0  }
0x20: {  	[sflag:s8] =	ssyncset.s32 @!p0 $0xFFFFF086;
	s6 =	sadd.s32 @!p0 s3, s7;
	s7 =	simm.s32 @!p0 $0x108  }
0x21: {  	s3 =	sadd.s32 s3, s9;
	s6 =	sadd.s32 @!p0 $0x88, s6;
	s7 =	simm.s32 @p2 $0x1082  }
0x22: {  	[simem:s7], [sflag:s8] =	dma.local @!p0 [hbm:s6], $0xF7A  }
0x23: {  	s9 =	sor.u32 $0xD0000000, s2;
	s6 =	simm.s32 $0x108;
	_ =	swait.ge @!p0 [sflag:s8], $0x0  }
0x24: {  	s3 =	sadd.s32 $0x88, s3;
	s6 =	simm.s32 @!p1 $0x1082;
	[sflag:s4] =	ssyncset.s32 $0xFFFFF086  }
0x25: {  	[simem:s6], [sflag:s4] =	dma.local [hbm:s3], $0xF7A  }
0x26: {  	[smem:$0x3F9A] =	sst s1;
	(tag) =	ssettag s2;
	_ =	strace s9  }
0x27: {  	s1 =	sld [smem:$0x3FAA]  }
0x28: {  	s2 =	sld [smem:$0x3FAB]  }
0x29: {  	s4 =	sld [smem:$0x3FAD]  }
0x2a: {  	p0 =	seq.s32 s5, $0x0;
	s5 =	sld [smem:$0x3FAE]  }
0x2b: {  	s6 =	sld [smem:$0x3FAF]  }
0x2c: {  	s7 =	sld [smem:$0x3FB0]  }
0x2d: {  	s3 =	simm.s32 $0x108;
	s8 =	sld [smem:$0x3FB1]  }
0x2e: {  	s3 =	simm.s32 @!p0 $0x1082;
	s9 =	sld [smem:$0x3FB2]  }
0x2f: {  	lr =	sadd.s32 s0, s3;
	s0 =	sld [smem:$0x3FA9]  }
0x30: {  	s3 =	sld [smem:$0x3FAC]  }
0x31: {  	[smem:$0x3FB5] =	sst s10  }
0x32: {  	s10 =	sld [smem:$0x3FB3];
	_ =	sdelay $0x3  }
0x33: {  	p0 =	seq.s32 s10, $0x1;
	s10 =	sld [smem:$0x3FB5];
	_ =	sdelay $0x3  }
0x34: {  	[smem:$0x3FB5] =	sst s10  }
0x35: {  	s10 =	sld [smem:$0x3FB4];
	_ =	sdelay $0x3  }
0x36: {  	p1 =	seq.s32 s10, $0x1;
	s10 =	sld [smem:$0x3FB5];
	_ =	sdelay $0x3  }
0x37: {  	[smem:$0x3FB5] =	sst s10  }
0x38: {  	s10 =	sld [smem:$0x3FB6]  }
0x39: {  	_ = 	snop;
	(pc) =	sbr.ind lr, $3  }
0x3a: {  	_ = 	snop  }
0x3b: {  	_ = 	snop  }
0x3c: {  	p2 =	seq.s32 s10, $0x1;
	s10 =	sld [smem:$0x3FB5]  }
0x3d: {  	_ =	shalt  }
0x3e: {  	_ =	shalt  }
0x3f: {  	_ =	shalt  }
0x40: {  	_ =	shalt  }
0x41: {  	_ =	shalt  }
0x42: {  	_ =	shalt  }
0x43: {  	_ =	shalt  }
0x44: {  	_ =	shalt  }
0x45: {  	_ =	shalt  }
0x46: {  	_ =	shalt  }
0x47: {  	_ =	shalt  }
0x48: {  	_ =	shalt  }
0x49: {  	_ =	shalt  }
0x4a: {  	_ =	shalt  }
0x4b: {  	_ =	shalt  }
0x4c: {  	_ =	shalt  }
0x4d: {  	_ =	shalt  }
0x4e: {  	_ =	shalt  }
0x4f: {  	_ =	shalt  }
0x50: {  	_ =	shalt  }
0x51: {  	_ =	shalt  }
0x52: {  	_ =	shalt  }
0x53: {  	_ =	shalt  }
0x54: {  	_ =	shalt  }
0x55: {  	_ =	shalt  }
0x56: {  	_ =	shalt  }
0x57: {  	_ =	shalt  }
0x58: {  	_ =	shalt  }
0x59: {  	_ =	shalt  }
0x5a: {  	_ =	shalt  }
0x5b: {  	_ =	shalt  }
0x5c: {  	_ =	shalt  }
0x5d: {  	_ =	shalt  }
0x5e: {  	_ =	shalt  }
0x5f: {  	_ =	shalt  }
0x60: {  	_ =	shalt  }
0x61: {  	_ =	shalt  }
0x62: {  	_ =	shalt  }
0x63: {  	_ =	shalt  }
0x64: {  	_ =	shalt  }
0x65: {  	_ =	shalt  }
0x66: {  	_ =	shalt  }
0x67: {  	_ =	shalt  }
0x68: {  	_ =	shalt  }
0x69: {  	_ =	shalt  }
0x6a: {  	_ =	shalt  }
0x6b: {  	_ =	shalt  }
0x6c: {  	_ =	shalt  }
0x6d: {  	_ =	shalt  }
0x6e: {  	_ =	shalt  }
0x6f: {  	_ =	shalt  }
0x70: {  	_ =	shalt  }
0x71: {  	_ =	shalt  }
0x72: {  	_ =	shalt  }
0x73: {  	_ =	shalt  }
0x74: {  	_ =	shalt  }
0x75: {  	_ =	shalt  }
0x76: {  	_ =	shalt  }
0x77: {  	_ =	shalt  }
0x78: {  	_ =	shalt  }
0x79: {  	_ =	shalt  }
0x7a: {  	_ =	shalt  }
0x7b: {  	_ =	shalt  }
0x7c: {  	_ =	shalt  }
0x7d: {  	_ =	shalt  }
0x7e: {  	_ =	shalt  }
0x7f: {  	_ =	shalt  }
0x80: {  	_ =	shalt  }
0x81: {  	_ =	shalt  }
0x82: {  	_ =	shalt  }
0x83: {  	_ =	shalt  }
0x84: {  	_ =	shalt  }
0x85: {  	_ =	shalt  }
0x86: {  	_ =	shalt  }
0x87: {  	_ =	shalt  }
.Lfunc_end0:
.L_simem_size_0:
called_computation.1_lowered:
.L_overlay_start_0:
0x88: {  	s2 =	sld [smem:$0x3FD9]  }
0x89: {  	s3 =	sld [smem:$0x3FFE];
	_ =	sdelay $0x1  }
0x8a: {  	s1 =	srdreg.scid  }
0x8b: {  	s0 =	sand.u32 $0x1, s1  }
0x8c: {  	s17 =	sshll.u32 s0, $0xA;
	s2 =	sadd.s32 s3, s2  }
0x8d: {  	s2 =	sadd.s32 s2, s17  }
0x8e: {  	[smem:$0x3FC1] =	sst s2  }
0x8f: {  	_ = 	snop  }
0x90: {  	s2 =	sld [smem:$0x3FD0];
	(tm) =	ssettm $0x1  }
0x91: {  	s18 =	sld [smem:$0x3FFB];
	_ =	sdelay $0x3  }
0x92: {  	_ =	strace s18  }
0x93: {  	s3 =	sld [smem:$0x3FFC];
	_ =	sdelay $0x3  }
0x94: {  	_ =	strace s3  }
0x95: {  	s3 =	sld [smem:$0x3FFD];
	_ =	sdelay $0x3  }
0x96: {  	_ =	strace s3  }
0x97: {  	_ =	strace $0x8FFFFFFF  }
0x98: {  	s19 =	sld [smem:$0x3FDB];
	_ =	sdelay $0x1  }
0x99: {  	s4 =	simm.s32 $_scs_section_size  }
0x9a: {  	s5 =	simm.s32 $_size__tile_overlayer_lowered;
	s6 =	simm.s32 $_tile_overlayer_lowered  }
0x9b: {  	s22 =	simm.s32 $0x1BFF;
	s21 =	sshll.u32 s6, $0x1;
	s3 =	sadd.s32 s4, s19  }
0x9c: {  	s7 =	simm.s32 $0x0;
	s20 =	sshll.u32 s5, $0x1;
	s5 =	sadd.s32 s21, s3  }
0x9d: {  	[timem:s7], [sflag:s22] =	dma.local [hbm:s5], s20  }
0x9e: {  	_ =	swait.ge [sflag:s22], s20  }
0x9f: {  	s4 =	ssub.s32 $0x0, s20;
	[sflag:s22] =	ssyncset.done $0x0  }
0xa0: {  	[sflag:s22] =	ssyncadd.s32 s4;
	_ =	sdelay $0x1  }
0xa1: {  	s23 =	simm.s32 $0x1B8B  }
0xa2: {  	_ =	swait.ge [sflag:s23], $0x1  }
0xa3: {  	[sflag:s23] =	ssyncset.done $0x0  }
0xa4: {  	s25 =	simm.s32 $0x1B8E;
	s24 =	sld [smem:$0x3FFE];
	[sflag:s23] =	ssyncadd.s32 $0xFFFFFFFF  }
0xa5: {  	s26 =	simm.s32 $execute0_lowered;
	[smem:$0x3FD2] =	sst s25  }
0xa6: {  	s5 =	sshll.u32 s26, $0x1;
	_ =	strace $0x80000046;
	[dreg:$0x1] =	wrdreg $0xFFFFFFFF  }
0xa7: {  	s28 =	simm.s32 $_size_execute0_lowered;
	s3 =	sadd.s32 s3, s5;
	[dreg:$0x0] =	wrdreg $0x0  }
0xa8: {  	s5 =	sshll.u32 s28, $0x1;
	[dreg:$0x2] =	wrdreg s3  }
0xa9: {  	[dreg:$0x3] =	wrdreg s5  }
0xaa: {  	[dreg:$0x4] =	wrdreg $0xC0  }
0xab: {  	_ =	task [dreg:s7], $0x5FFFF  }
0xac: {  	[dreg:$0x1] =	wrdreg $0xFFFFFFFF  }
0xad: {  	[dreg:$0x0] =	wrdreg $0x60  }
0xae: {  	[dreg:$0x2] =	wrdreg s2  }
0xaf: {  	[dreg:$0x3] =	wrdreg s24  }
0xb0: {  	[dreg:$0x4] =	wrdreg $0x68800  }
0xb1: {  	[dreg:$0x5] =	wrdreg $0xA  }
0xb2: {  	_ =	task.clear_ibuf [dreg:s7], $0x6FFFF;
	_ =	strace $0x90000046  }
0xb3: {  	s29 =	simm.s32 $0xA;
	_ =	strace $0x80000048  }
0xb4: {  	_ =	swait.ge [sflag:s29], $0x1  }
0xb5: {  	[sflag:s29] =	ssyncadd.s32 $0xFFFFFFFF  }
0xb6: {  	_ =	strace $0x90000048  }
0xb7: {  	_ =	sfence  }
0xb8: {  	s30 =	sld [smem:$0x0];
	_ =	sdelay $0x2  }
0xb9: {  	s31 =	sshll.u32 s1, $0xD;
	s1 =	sshrl.u32 s1, $0x2  }
0xba: {  	s3 =	sand.u32 $0x4000, s31;
	s1 =	sadd.s32 s1, s30  }
0xbb: {  	s0 =	sor.u32 s3, s0;
	s1 =	sshll.u32 s1, $0x11  }
0xbc: {  	s0 =	sor.u32 s1, s0  }
0xbd: {  	s0 =	sadd.s32 $0x8F2B, s0  }
0xbe: {  	[sflag:s0] =	ssyncadd.remote.s32 $0x1  }
0xbf: {  	_ =	sfence.sel $0xFFFF  }
0xc0: {  	[dreg:$0x0] =	wrdreg $0xFFFFFFFF;
	(pc) =	sbr.abs _section_cstart, $3  }
0xc1: {  	[dreg:$0x1] =	wrdreg $0xFFFFFFFF  }
0xc2: {  	_ =	task.clear_ibuf [dreg:s7], $0x2FFFF;
	_ =	strace $0x9FFFFFFF  }
0xc3: {  	(tm) =	ssettm $0x7FFFFFFF  }
tec
execute0_lowered:
.L_overlay_start_1:
0x0: {  	(tag) =	ssettag $0x1  }
0x1: {  	s6 =	rddreg [dreg:$0x0]  }
0x2: {  	s4 =	rddreg [dreg:$0x1]  }
0x3: {  	s2 =	rddreg [dreg:$0x2];
	s1 =	stileid.u32  }
0x4: {  	s0 =	rddreg [dreg:$0x3];
	s7 =	smul.u32 $0x13C00, s1  }
0x5: {  	s5 =	srdreg.scid;
	s10 =	smul.u32 $0x4F000, s1  }
0x6: {  	s3 =	simm.s32 $0x0;
	s5 =	sand.u32 $0x1, s5;
	s11 =	smul.u32 $0x2800, s1  }
0x7: {  	s13 =	simm.s32 $0x2880;
	[smem:$0x7FF] =	sst s3;
	s8 =	smul.u32 $0x13C000, s5  }
0x8: {  	s30 =	sshll.u32 s1, $0x6;
	s26 =	smul.u32 $0x28000, s5;
	s5 =	ssub.s32 $0x2, s5  }
0x9: {  	_ =	strace $0x80000047;
	s9 =	sshrl.u32 s7, $0x3;
	s28 =	sshrl.u32 s5, $0x1  }
0xa: {  	s10 =	sshrl.u32 s10, $0x2;
	s9 =	sadd.s32 s9, s4;
	s7 =	sadd.s32 s7, s8  }
0xb: {  	s12 =	ssub.s32 s5, s28;
	s10 =	sadd.s32 s10, s2;
	s29 =	sadd.s32 s11, s26  }
0xc: {  	s5 =	sor.u32 $0x1C01, s30;
	s11 =	simm.s32 $0x80;
	s7 =	sshrl.u32 s7, $0x3  }
0xd: {  	s31 =	sshrl.u32 s29, $0x3;
	s8 =	smax.u32 s12, $0x1;
	s12 =	simm.s32 $0x2800  }
0xe: {  	s7 =	sadd.s32 s7, s4;
	s4 =	sadd.s32 $0x1400, s9;
	s6 =	sadd.s32 s6, s31  }
0xf: {  	v0 =	vimm.f32 $1.000000000e+00;
	s9 =	sshrl.u32 s10, $0x3;
	s10 =	simm.s32 $0x1;
	s7 =	sadd.s32 $0x28C00, s7  }
.LBB2_1:
0x10: {  	[spmem:s9], [sflag:s5] =	dma.local [hbm:s4], $0x2780  }
0x11: {  	_ =	swait.ge [sflag:s10], $0x2780  }
0x12: {  	[sflag:s10] =	ssyncset.done $0x0  }
0x13: {  	s14 =	simm.s32 $0x200;
	s15 =	simm.s32 $0x0;
	[sflag:s10] =	ssyncadd.s32 $0xFFFFD880  }
.LBB2_2:
0x14: {  	p0 =	sne.s32 s14, $0xFE00;
	[tilespmem:s15+$0x2880] =	vst v0;
	s15 =	smov.u32 s14;
	s14 =	sadd.s32 $0x200, s14  }
.Ltmp0:
0x15: {  	(pc) =	sbr.rel @p0 .LBB2_2-.Ltmp0, $2  }
0x16: {  	_ =	sdelay $0x2  }
0x17: {  	s15 =	sshra.s32 s15, $0x2  }
0x18: {  	[tilespmem:s15+$0x2880] =	vst v0;
	s14 =	simm.s32 $0x0  }
0x19: {  	[tilespmem:s14], [sflag:$0x1] =	stream.linear.gather [hbm4b:s6+s14], $0x2800, $0x38;
	[tilespmem:$0x9000] =	vst v63  }
0x1a: {  	_ =	swait.ge [sflag:s10], $0x2800  }
0x1b: {  	[sflag:s10] =	ssyncset.done $0x0  }
0x1c: {  	[sflag:s10] =	ssyncadd.s32 $0xFFFFD800  }
0x1d: {  	s31 =	simm.s32 $0x0;
	[bflag:$0x0] =	sbarrier.arrive $0xFFFF  }
0x1e: {  	v1 =	vld [tilespmem:s31+$0x0];
	_ =	sdelay $0x4  }
0x1f: {  	v1 =	vshrl.u32 v1, $0x10  }
0x20: {  	[tilespmem:$0x2800] =	vst v1  }
0x21: {  	v1 =	vld [tilespmem:s31+$0x10];
	_ =	sdelay $0x4  }
0x22: {  	v1 =	vshrl.u32 v1, $0x10  }
0x23: {  	[tilespmem:$0x2810] =	vst v1  }
0x24: {  	v1 =	vld [tilespmem:s31+$0x20];
	_ =	sdelay $0x4  }
0x25: {  	v1 =	vshrl.u32 v1, $0x10  }
0x26: {  	[tilespmem:$0x2820] =	vst v1  }
0x27: {  	v1 =	vld [tilespmem:s31+$0x30];
	_ =	sdelay $0x4  }
0x28: {  	v1 =	vshrl.u32 v1, $0x10  }
0x29: {  	[tilespmem:$0x2830] =	vst v1  }
0x2a: {  	v1 =	vld [tilespmem:s31+$0x40];
	_ =	sdelay $0x4  }
0x2b: {  	v1 =	vshrl.u32 v1, $0x10  }
0x2c: {  	[tilespmem:$0x2840] =	vst v1  }
0x2d: {  	v1 =	vld [tilespmem:s31+$0x50];
	_ =	sdelay $0x4  }
0x2e: {  	v1 =	vshrl.u32 v1, $0x10  }
0x2f: {  	[tilespmem:$0x2850] =	vst v1  }
0x30: {  	v1 =	vld [tilespmem:s31+$0x60];
	_ =	sdelay $0x4  }
0x31: {  	v1 =	vshrl.u32 v1, $0x10  }
0x32: {  	[tilespmem:$0x2860] =	vst v1  }
0x33: {  	v1 =	vld [tilespmem:s31+$0x70];
	_ =	sdelay $0x4  }
0x34: {  	v1 =	vshrl.u32 v1, $0x10  }
0x35: {  	[tilespmem:$0x2870] =	vst v1  }
0x36: {  	[spmem:s2] =	stream.indirect.scatter.add.f32 [tilespmem:s13], [sflag:$0x1], $0x10, s12, s11, $0xb8;
	[tilespmem:$0x9000] =	vst v63  }
0x37: {  	_ =	swait.ge [sflag:s10], $0x800  }
0x38: {  	s17 =	simm.s32 $0x400;
	s14 =	simm.s32 $0x200;
	[sflag:s10] =	ssyncset.done $0x0  }
.LBB2_4:
0x39: {  	s16 =	sshra.s32 s14, $0x2  }
0x3a: {  	[sflag:s10] =	ssyncadd.s32 $0xFFFFF800;
	s14 =	smov.u32 s17;
	s15 =	sadd.s32 $0x200, s17  }
0x3b: {  	p0 =	sne.s32 s17, $0x9E00;
	v1 =	vld [tilespmem:s16+$0x0];
	_ =	sdelay $0x4  }
0x3c: {  	v1 =	vshrl.u32 v1, $0x10  }
0x3d: {  	[tilespmem:$0x2800] =	vst v1  }
0x3e: {  	v1 =	vld [tilespmem:s16+$0x10];
	_ =	sdelay $0x4  }
0x3f: {  	v1 =	vshrl.u32 v1, $0x10  }
0x40: {  	[tilespmem:$0x2810] =	vst v1  }
0x41: {  	v1 =	vld [tilespmem:s16+$0x20];
	_ =	sdelay $0x4  }
0x42: {  	v1 =	vshrl.u32 v1, $0x10  }
0x43: {  	[tilespmem:$0x2820] =	vst v1  }
0x44: {  	v1 =	vld [tilespmem:s16+$0x30];
	_ =	sdelay $0x4  }
0x45: {  	v1 =	vshrl.u32 v1, $0x10  }
0x46: {  	[tilespmem:$0x2830] =	vst v1  }
0x47: {  	v1 =	vld [tilespmem:s16+$0x40];
	_ =	sdelay $0x4  }
0x48: {  	v1 =	vshrl.u32 v1, $0x10  }
0x49: {  	[tilespmem:$0x2840] =	vst v1  }
0x4a: {  	v1 =	vld [tilespmem:s16+$0x50];
	_ =	sdelay $0x4  }
0x4b: {  	v1 =	vshrl.u32 v1, $0x10  }
0x4c: {  	[tilespmem:$0x2850] =	vst v1  }
0x4d: {  	v1 =	vld [tilespmem:s16+$0x60];
	_ =	sdelay $0x4  }
0x4e: {  	v1 =	vshrl.u32 v1, $0x10  }
0x4f: {  	[tilespmem:$0x2860] =	vst v1  }
0x50: {  	v1 =	vld [tilespmem:s16+$0x70];
	_ =	sdelay $0x4  }
.Ltmp1:
0x51: {  	v1 =	vshrl.u32 v1, $0x10;
	(pc) =	sbr.rel @p0 .LBB2_4-.Ltmp1, $4  }
0x52: {  	[tilespmem:$0x2870] =	vst v1  }
0x53: {  	[spmem:s2] =	stream.indirect.scatter.add.f32 [tilespmem:s13], [sflag:$0x1], $0x10, s12, s11, $0xb8;
	[tilespmem:$0x9000] =	vst v63  }
0x54: {  	_ =	swait.ge [sflag:s10], $0x800  }
0x55: {  	s17 =	smov.u32 s15;
	[sflag:s10] =	ssyncset.done $0x0  }
0x56: {  	s14 =	sshra.s32 s14, $0x2;
	[sflag:s10] =	ssyncadd.s32 $0xFFFFF800  }
0x57: {  	v1 =	vld [tilespmem:s14+$0x0];
	_ =	sdelay $0x4  }
0x58: {  	v1 =	vshrl.u32 v1, $0x10  }
0x59: {  	[tilespmem:$0x2800] =	vst v1  }
0x5a: {  	v1 =	vld [tilespmem:s14+$0x10];
	_ =	sdelay $0x4  }
0x5b: {  	v1 =	vshrl.u32 v1, $0x10  }
0x5c: {  	[tilespmem:$0x2810] =	vst v1  }
0x5d: {  	v1 =	vld [tilespmem:s14+$0x20];
	_ =	sdelay $0x4  }
0x5e: {  	v1 =	vshrl.u32 v1, $0x10  }
0x5f: {  	[tilespmem:$0x2820] =	vst v1  }
0x60: {  	v1 =	vld [tilespmem:s14+$0x30];
	_ =	sdelay $0x4  }
0x61: {  	v1 =	vshrl.u32 v1, $0x10  }
0x62: {  	[tilespmem:$0x2830] =	vst v1  }
0x63: {  	v1 =	vld [tilespmem:s14+$0x40];
	_ =	sdelay $0x4  }
0x64: {  	v1 =	vshrl.u32 v1, $0x10  }
0x65: {  	[tilespmem:$0x2840] =	vst v1  }
0x66: {  	v1 =	vld [tilespmem:s14+$0x50];
	_ =	sdelay $0x4  }
0x67: {  	v1 =	vshrl.u32 v1, $0x10  }
0x68: {  	[tilespmem:$0x2850] =	vst v1  }
0x69: {  	v1 =	vld [tilespmem:s14+$0x60];
	_ =	sdelay $0x4  }
0x6a: {  	v1 =	vshrl.u32 v1, $0x10  }
0x6b: {  	[tilespmem:$0x2860] =	vst v1  }
0x6c: {  	v1 =	vld [tilespmem:s14+$0x70];
	_ =	sdelay $0x4  }
0x6d: {  	v1 =	vshrl.u32 v1, $0x10  }
0x6e: {  	[tilespmem:$0x2870] =	vst v1  }
0x6f: {  	[spmem:s2] =	stream.indirect.scatter.add.f32 [tilespmem:s13], [sflag:$0x1], $0x10, s12, s11, $0xb8;
	[tilespmem:$0x9000] =	vst v63  }
0x70: {  	_ =	swait.ge [sflag:s10], $0x800  }
0x71: {  	s3 =	sadd.s32 $0x1, s3;
	[sflag:s10] =	ssyncset.done $0x0  }
0x72: {  	p0 =	sne.s32 s3, s8;
	[sflag:s10] =	ssyncadd.s32 $0xFFFFF800  }
.Ltmp2:
0x73: {  	[bflag:$0x0] =	sbarrier.arrive $0xFFFF;
	(pc) =	sbr.rel @p0 .LBB2_1-.Ltmp2, $4  }
0x74: {  	[hbm:s7], [sflag:s5] =	dma.local [spmem:s9], $0x2780  }
0x75: {  	_ =	swait.ge [sflag:s10], $0x2780  }
0x76: {  	[sflag:s10] =	ssyncset.done $0x0  }
0x77: {  	[sflag:s10] =	ssyncadd.s32 $0xFFFFD880  }
0x78: {  	_ =	sfence.sel $0x180000  }
0x79: {  	[bflag:$0x0] =	sbarrier.arrive $0xFFFF  }
0x7a: {  	p0 =	sne.s32 s1, $0x0;
	_ =	strace $0x90000047  }
0x7b: {  	s0 =	sadd.s32 @!p0 $0x100000, s0;
	[bflag:$0x2] =	sbarrier.arrive $0xFFFF  }
0x7c: {  	[sflag:s0] =	ssyncadd.tile.s32 @!p0 $0x1;
	_ =	shalt  }
.Lfunc_end2:
_tile_overlayer_lowered:
.L_overlay_start_2:
0x7d: {  	(tag) =	ssettag $0x2  }
0x7e: {  	s0 =	rddreg [dreg:$0x0];
	s2 =	stileid.u32  }
0x7f: {  	s1 =	rddreg [dreg:$0x1];
	p0 =	sne.s32 s2, $0x0  }
0x80: {  	s3 =	rddreg [dreg:$0x2];
	[bflag:$0x3] =	sbarrier.arrive $0xFFFF;
	s2 =	simm.s32 @!p0 $0x1C01  }
0x81: {  	[timem:s3], [sflag:s2] =	dma.local @!p0 [hbm:s0], s1  }
0x82: {  	s0 =	simm.s32 @!p0 $0x1  }
0x83: {  	_ =	swait.ge @!p0 [sflag:s0], s1  }
0x84: {  	s1 =	ssub.s32 @!p0 $0x0, s1;
	[sflag:s0] =	ssyncset.done @!p0 $0x0  }
0x85: {  	[sflag:s0] =	ssyncadd.s32 @!p0 s1  }
0x86: {  	[bflag:$0x3] =	sbarrier.arrive $0xFFFF  }
0x87: {  	_ =	shalt  }

</sc_bundles>
